<compile_context>
chip_gen: v7x
topology: tpu7x:2x2x1
jax: 0.10.2.dev20260603
libtpu: 0.0.44.dev20260713+nightly
codegen_flags: <defaults>
</compile_context>

<pallas_src>
import functools

import jax
import jax.numpy as jnp
from jax.experimental import pallas as pl
from jax.experimental.pallas import tpu as pltpu
from jax.experimental.pallas import tpu_sc as plsc

_NUM_HEADS = 16
_NUM_KV_HEADS = 4
_QPK = _NUM_HEADS // _NUM_KV_HEADS
_HEAD = 128
_SCALE = 0.08838834764831845
_PAGE = 16
_NUM_BLOCKS = 2048
_NUM_PAGES = 128
_L = _PAGE * _NUM_PAGES
_BATCH = 16
_NEG = float(jnp.finfo(jnp.float32).min)



def _attn_body(ctx_ref, sm_ref, sp_ref, q_ref, k_ref, v_ref, kn_ref, vn_ref,
               o_ref):
    b = pl.program_id(0)
    ctx = ctx_ref[b]

    q = q_ref[0, 0]
    k = k_ref[0, 0]
    v = v_ref[0, 0]
    sp = sp_ref[0]

    ov = jnp.zeros((1, _L), jnp.int32)
    for bp in range(_BATCH):
        ov = jnp.where(sp == sm_ref[bp], bp + 1, ov)
    onehot = (jax.lax.broadcasted_iota(jnp.int32, (_BATCH, _L), 0) + 1 == ov
              ).astype(jnp.float32)
    has = ov > 0

    s = jax.lax.dot_general(q, k, (((1,), (1,)), ((), ())),
                            preferred_element_type=jnp.float32)
    s_ov = jax.lax.dot_general(q, kn_ref[0], (((1,), (0,)), ((), ())),
                               preferred_element_type=jnp.float32)
    s_ovl = jax.lax.dot(s_ov, onehot, preferred_element_type=jnp.float32)
    s = jnp.where(has, s_ovl, s) * _SCALE
    mask = jax.lax.broadcasted_iota(jnp.int32, (1, _L), 1) < ctx
    s = jnp.where(mask, s, _NEG)
    m = jnp.max(s, axis=1, keepdims=True)
    e = jnp.exp(s - m)
    den = jnp.sum(e, axis=1, keepdims=True)
    e_stale = jnp.where(has, 0.0, e)
    e_ov = jax.lax.dot_general(e, onehot, (((1,), (1,)), ((), ())),
                               preferred_element_type=jnp.float32)
    o = jax.lax.dot_general(e_stale, v, (((1,), (0,)), ((), ())),
                            preferred_element_type=jnp.float32)
    o += jax.lax.dot_general(e_ov, vn_ref[0], (((1,), (1,)), ((), ())),
                             preferred_element_type=jnp.float32)
    o_ref[0, 0] = o / den


def _attention(kg, vg, q_r, knT, vnT, slot_pos, slot_map, context_lens,
               interpret=False):
    grid = (_BATCH, _NUM_KV_HEADS)
    return pl.pallas_call(
        _attn_body,
        grid=grid,
        in_specs=[
            pl.BlockSpec(memory_space=pltpu.SMEM),
            pl.BlockSpec(memory_space=pltpu.SMEM),
            pl.BlockSpec((1, 1, _L), lambda b, h: (b, 0, 0)),
            pl.BlockSpec((1, 1, _QPK, _HEAD), lambda b, h: (b, h, 0, 0)),
            pl.BlockSpec((1, 1, _L, _HEAD), lambda b, h: (b, h, 0, 0)),
            pl.BlockSpec((1, 1, _L, _HEAD), lambda b, h: (b, h, 0, 0)),
            pl.BlockSpec((1, _HEAD, _BATCH), lambda b, h: (h, 0, 0)),
            pl.BlockSpec((1, _HEAD, _BATCH), lambda b, h: (h, 0, 0)),
        ],
        out_specs=pl.BlockSpec((1, 1, _QPK, _HEAD), lambda b, h: (b, h, 0, 0)),
        out_shape=jax.ShapeDtypeStruct(
            (_BATCH, _NUM_KV_HEADS, _QPK, _HEAD), jnp.float32),
        interpret=interpret,
    )(context_lens, slot_map, slot_pos, q_r, kg, vg, knT, vnT)



_GROUP = 16
_NUM_GROUPS = _NUM_PAGES // _GROUP
_TASKS = _NUM_GROUPS * _BATCH * _NUM_KV_HEADS
_TROWS = 2 * _GROUP


def _gather_body(kc, vc, bt, ctx, kg, vg, ctxbuf, btbuf, idx2, bufa,
                 gsem, wsem):
    w = jax.lax.axis_index("s") * 2 + jax.lax.axis_index("c")
    pltpu.sync_copy(ctx, ctxbuf)
    ctxv = ctxbuf[...]
    lane = jax.lax.iota(jnp.int32, 16)

    def task(t, _):
        tid = t * 32 + w
        g = tid // (_BATCH * _NUM_KV_HEADS)
        b = (tid // _NUM_KV_HEADS) % _BATCH
        h = tid % _NUM_KV_HEADS
        ctx_b = jnp.max(jnp.where(lane == b, ctxv, 0))

        @pl.when(g * (_GROUP * _PAGE) < ctx_b)
        def _():
            pltpu.sync_copy(bt.at[pl.ds(b * _NUM_PAGES + g * _GROUP, _GROUP)],
                            btbuf)
            for j in range(2):
                pj = plsc.load_gather(btbuf, [lane // 2 + 8 * j])
                idx2[pl.ds(j * 16, 16)] = pj * 8 + (h * 2 + lane % 2)
            for src, dst in ((kc, kg), (vc, vg)):
                pltpu.async_copy(src.at[idx2], bufa, gsem).wait()
                pltpu.async_copy(
                    bufa, dst.at[b, h, pl.ds(g * _TROWS, _TROWS)],
                    wsem).wait()
        return 0

    jax.lax.fori_loop(0, _TASKS // 32, task, 0)


def _sc_gather(kc_t, vc_t, bt_flat, ctx):
    out = jax.ShapeDtypeStruct(
        (_BATCH, _NUM_KV_HEADS, _L // 8, 8, _HEAD), jnp.float32)
    fn = pl.kernel(
        _gather_body,
        out_type=(out, out),
        mesh=plsc.VectorSubcoreMesh(core_axis_name="c", subcore_axis_name="s"),
        compiler_params=pltpu.CompilerParams(needs_layout_passes=False),
        scratch_types=[
            pltpu.VMEM((16,), jnp.int32),
            pltpu.VMEM((_GROUP,), jnp.int32),
            pltpu.VMEM((_TROWS,), jnp.int32),
            pltpu.VMEM((_TROWS, 8, _HEAD), jnp.float32),
            pltpu.SemaphoreType.DMA,
            pltpu.SemaphoreType.DMA,
        ],
    )
    return fn(kc_t, vc_t, bt_flat, ctx)



def kernel(query, key, value, key_cache, value_cache, slot_mapping,
           block_tables, context_lens):
    batch, q_len, hidden = query.shape
    q_r = query.reshape(_BATCH, _NUM_KV_HEADS, _QPK, _HEAD)
    knT = jnp.transpose(key.reshape(_BATCH, _NUM_KV_HEADS, _HEAD), (1, 2, 0))
    vnT = jnp.transpose(value.reshape(_BATCH, _NUM_KV_HEADS, _HEAD), (1, 2, 0))
    sm_flat = slot_mapping.reshape(-1).astype(jnp.int32)
    slot_pos = (block_tables[:, :, None] * _PAGE +
                jnp.arange(_PAGE, dtype=jnp.int32)[None, None, :]
                ).reshape(_BATCH, 1, _L)
    bt_flat = block_tables.reshape(-1).astype(jnp.int32)

    kc_t = jnp.transpose(key_cache, (0, 1, 3, 2)).reshape(-1, 8, _HEAD)
    vc_t = jnp.transpose(value_cache, (0, 1, 3, 2)).reshape(-1, 8, _HEAD)
    kg, vg = _sc_gather(kc_t, vc_t, bt_flat, context_lens.astype(jnp.int32))
    kg = kg.reshape(_BATCH, _NUM_KV_HEADS, _L, _HEAD)
    vg = vg.reshape(_BATCH, _NUM_KV_HEADS, _L, _HEAD)
    out = _attention(kg, vg, q_r, knT, vnT, slot_pos, sm_flat,
                     context_lens.astype(jnp.int32))
    return out.reshape(batch, q_len, hidden)

# --- scband reference (transcript-rebuilt; emitter-appended) ---
"""Pipeline reference for scband-paged-attention-35639638622523 (READ-ONLY COPY).

The authoritative reference and input builder live on the scoring server;
editing this copy changes nothing except your own understanding.
"""

import jax, jax.numpy as jnp
import numpy as np

NUM_HEADS = 16
NUM_KV_HEADS = 4
HEAD_SIZE = 128
SCALE = 0.08838834764831845
BATCH = 16
Q_LEN = 1
KV_LEN = 2048
BLOCK_SIZE = 16
NUM_BLOCKS = 2048
MAX_BLOCKS_PER_SEQ = KV_LEN // BLOCK_SIZE


def setup_inputs(seed: int = 0) -> dict:
    key = jax.random.key(seed)
    ks = jax.random.split(key, 8)
    query = jax.random.normal(ks[0], (BATCH, Q_LEN, NUM_HEADS * HEAD_SIZE), dtype=jnp.float32)
    k_new = jax.random.normal(ks[1], (BATCH, Q_LEN, NUM_KV_HEADS * HEAD_SIZE), dtype=jnp.float32)
    v_new = jax.random.normal(ks[2], (BATCH, Q_LEN, NUM_KV_HEADS * HEAD_SIZE), dtype=jnp.float32)
    key_cache = jax.random.normal(ks[3], (NUM_BLOCKS, NUM_KV_HEADS, HEAD_SIZE, BLOCK_SIZE), dtype=jnp.float32)
    value_cache = jax.random.normal(ks[4], (NUM_BLOCKS, NUM_KV_HEADS, HEAD_SIZE, BLOCK_SIZE), dtype=jnp.float32)
    slot_mapping = jax.random.randint(ks[5], (BATCH, Q_LEN), 0, NUM_BLOCKS * BLOCK_SIZE, dtype=jnp.int32)
    block_tables = jax.random.randint(ks[6], (BATCH, MAX_BLOCKS_PER_SEQ), 0, NUM_BLOCKS, dtype=jnp.int32)
    context_lens = jax.random.randint(ks[7], (BATCH,), 1, KV_LEN, dtype=jnp.int32)
    return {
        'query': query,
        'key': k_new,
        'value': v_new,
        'key_cache': key_cache,
        'value_cache': value_cache,
        'slot_mapping': slot_mapping,
        'block_tables': block_tables,
        'context_lens': context_lens,
    }


def reference(query, key, value, key_cache, value_cache, slot_mapping, block_tables, context_lens):
    batch, q_len, hidden = query.shape
    q = query.reshape(batch * q_len, NUM_HEADS, HEAD_SIZE)
    k = key.reshape(batch * q_len, NUM_KV_HEADS, HEAD_SIZE)
    v = value.reshape(batch * q_len, NUM_KV_HEADS, HEAD_SIZE)
    # reshape_and_cache: scatter new K/V into paged caches at slot_mapping
    sm = slot_mapping.reshape(-1)
    block_size = value_cache.shape[3]
    blk = sm // block_size
    off = sm % block_size
    key_cache = key_cache.at[blk, :, :, off].set(k)
    value_cache = value_cache.at[blk, :, :, off].set(v)
    # paged_attention_v1 (decode): gather KV blocks per sequence via block_tables
    keys = key_cache[block_tables]          # [B, nb, kvh, dh, bs]
    keys = jnp.transpose(keys, (0, 2, 1, 4, 3)).reshape(batch, NUM_KV_HEADS, -1, HEAD_SIZE)
    vals = value_cache[block_tables]
    vals = jnp.transpose(vals, (0, 2, 1, 4, 3)).reshape(batch, NUM_KV_HEADS, -1, HEAD_SIZE)
    # head_mapping: repeat each kv head for its group of query heads (GQA)
    qpk = NUM_HEADS // NUM_KV_HEADS
    keys = jnp.repeat(keys, qpk, axis=1)    # [B, H, L, dh]
    vals = jnp.repeat(vals, qpk, axis=1)
    qh = q.reshape(batch, q_len, NUM_HEADS, HEAD_SIZE).transpose(0, 2, 1, 3)  # [B, H, q, dh]
    scores = jnp.einsum('bhqd,bhld->bhql', qh, keys) * SCALE
    L = keys.shape[2]
    mask = jnp.arange(L)[None, None, None, :] < context_lens[:, None, None, None]
    scores = jnp.where(mask, scores, jnp.finfo(scores.dtype).min)
    attn = jax.nn.softmax(scores, axis=-1)
    out = jnp.einsum('bhql,bhld->bhqd', attn, vals)  # [B, H, q, dh]
    return jnp.transpose(out, (0, 2, 1, 3)).reshape(batch, q_len, hidden)

if __name__ == "__main__":
    import jax
    _d = setup_inputs()
    print(jax.jit(kernel)(*tuple(_d.values())))

</pallas_src>

<mosaic_0001>
#map = affine_map<(d0, d1) -> (0, 0, 0)>
#map1 = affine_map<(d0, d1) -> (0)>
#map2 = affine_map<(d0, d1) -> (0, 0, 0, 0, 0)>
module attributes {stable_mosaic.version = 14 : i64} {
  func.func @_gather_body(%arg0: i32, %arg1: i32, %arg2: memref<16384x8x128xf32, #tpu.memory_space<hbm>>, %arg3: memref<16384x8x128xf32, #tpu.memory_space<hbm>>, %arg4: memref<2048xi32, #tpu.memory_space<hbm>>, %arg5: memref<16xi32, #tpu.memory_space<hbm>>, %arg6: memref<16x4x256x8x128xf32, #tpu.memory_space<hbm>>, %arg7: memref<16x4x256x8x128xf32, #tpu.memory_space<hbm>>, %arg8: memref<16xi32, #tpu.memory_space<vmem>>, %arg9: memref<16xi32, #tpu.memory_space<vmem>>, %arg10: memref<32xi32, #tpu.memory_space<vmem>>, %arg11: memref<32x8x128xf32, #tpu.memory_space<vmem>>, %arg12: memref<!tpu.dma_semaphore, #tpu.memory_space<semaphore_mem>>, %arg13: memref<!tpu.dma_semaphore, #tpu.memory_space<semaphore_mem>>) attributes {dimension_semantics = [#tpu.dimension_semantics<core_parallel>, #tpu.dimension_semantics<subcore_parallel>], iteration_bounds = array<i64: 2, 16>, scalar_prefetch = 0 : i64, scratch_operands = 6 : i64, tpu.core_type = #tpu.core_type<sc_vector_subcore>, window_params = [{transform_indices = #map}, {transform_indices = #map}, {transform_indices = #map1}, {transform_indices = #map1}, {transform_indices = #map2}, {transform_indices = #map2}]} {
    %mul3A = arith.constant 2 : i32
    %mul3A_0 = arith.muli %arg1, %mul3A : i32
    %add3A = arith.addi %mul3A_0, %arg0 : i32
    "tpu.region"() ({
      %run_scoped3A = tpu.sem_alloc : memref<!tpu.dma_semaphore, #tpu.memory_space<semaphore_mem>>
      tpu.enqueue_dma source(%arg5 : memref<16xi32, #tpu.memory_space<hbm>>) target(%arg8 : memref<16xi32, #tpu.memory_space<vmem>>) target_semaphore(%run_scoped3A : memref<!tpu.dma_semaphore, #tpu.memory_space<semaphore_mem>>)
      tpu.wait_dma2 semaphore(%run_scoped3A : memref<!tpu.dma_semaphore, #tpu.memory_space<semaphore_mem>>) src(%arg5 : memref<16xi32, #tpu.memory_space<hbm>>) dst(%arg8 : memref<16xi32, #tpu.memory_space<vmem>>)
      tpu.yield
    }) : () -> ()
    %get3A = arith.constant 0 : index
    %get3A_1 = tpu.vector_load %arg8[%get3A] {strides = array<i32>} : memref<16xi32, #tpu.memory_space<vmem>>, vector<16xi32>,
    %iota3A = tpu.iota {dimensions = array<i32: 0>} : vector<16xi32>
    %scan3A = arith.constant 0 : i32
    %scan3A_2 = arith.constant 0 : i32
    %scan3A_3 = arith.constant 16 : i32
    %scan3A_4 = arith.addi %scan3A_2, %scan3A_3 : i32
    %scan3A_5 = arith.constant 1 : i32
    %scan3A_6 = scf.for %scan3A_8 = %scan3A_2 to %scan3A_4 step %scan3A_5 iter_args(%scan3A_9 = %scan3A) -> (i32)  : i32 {
      %mul3A_10 = arith.constant 32 : i32
      %mul3A_11 = arith.muli %scan3A_8, %mul3A_10 : i32
      %add3A_12 = arith.addi %mul3A_11, %add3A : i32
      %jit3A = arith.constant 64 : i32
      %div3A = arith.divsi %add3A_12, %jit3A : i32
      %sign3A = arith.constant 0 : i32
      %sign3A_13 = arith.cmpi sgt, %add3A_12, %sign3A : i32
      %sign3A_14 = arith.extui %sign3A_13 : i1 to i32
      %sign3A_15 = arith.constant 0 : i32
      %sign3A_16 = arith.cmpi slt, %add3A_12, %sign3A_15 : i32
      %sign3A_17 = arith.extui %sign3A_16 : i1 to i32
      %sign3A_18 = arith.subi %sign3A_14, %sign3A_17 : i32
      %sign3A_19 = arith.constant 0 : i32
      %sign3A_20 = arith.cmpi sgt, %jit3A, %sign3A_19 : i32
      %sign3A_21 = arith.extui %sign3A_20 : i1 to i32
      %sign3A_22 = arith.constant 0 : i32
      %sign3A_23 = arith.cmpi slt, %jit3A, %sign3A_22 : i32
      %sign3A_24 = arith.extui %sign3A_23 : i1 to i32
      %sign3A_25 = arith.subi %sign3A_21, %sign3A_24 : i32
      %ne3A = arith.cmpi ne, %sign3A_18, %sign3A_25 : i32
      %rem3A = arith.remsi %add3A_12, %jit3A : i32
      %ne3A_26 = arith.constant 0 : i32
      %ne3A_27 = arith.cmpi ne, %rem3A, %ne3A_26 : i32
      %and3A = arith.andi %ne3A, %ne3A_27 : i1
      %sub3A = arith.constant 1 : i32
      %sub3A_28 = arith.subi %div3A, %sub3A : i32
      %select_n3A = arith.select %and3A, %sub3A_28, %div3A : i32
      %jit3A_29 = arith.constant 4 : i32
      %div3A_30 = arith.divsi %add3A_12, %jit3A_29 : i32
      %sign3A_31 = arith.constant 0 : i32
      %sign3A_32 = arith.cmpi sgt, %add3A_12, %sign3A_31 : i32
      %sign3A_33 = arith.extui %sign3A_32 : i1 to i32
      %sign3A_34 = arith.constant 0 : i32
      %sign3A_35 = arith.cmpi slt, %add3A_12, %sign3A_34 : i32
      %sign3A_36 = arith.extui %sign3A_35 : i1 to i32
      %sign3A_37 = arith.subi %sign3A_33, %sign3A_36 : i32
      %sign3A_38 = arith.constant 0 : i32
      %sign3A_39 = arith.cmpi sgt, %jit3A_29, %sign3A_38 : i32
      %sign3A_40 = arith.extui %sign3A_39 : i1 to i32
      %sign3A_41 = arith.constant 0 : i32
      %sign3A_42 = arith.cmpi slt, %jit3A_29, %sign3A_41 : i32
      %sign3A_43 = arith.extui %sign3A_42 : i1 to i32
      %sign3A_44 = arith.subi %sign3A_40, %sign3A_43 : i32
      %ne3A_45 = arith.cmpi ne, %sign3A_37, %sign3A_44 : i32
      %rem3A_46 = arith.remsi %add3A_12, %jit3A_29 : i32
      %ne3A_47 = arith.constant 0 : i32
      %ne3A_48 = arith.cmpi ne, %rem3A_46, %ne3A_47 : i32
      %and3A_49 = arith.andi %ne3A_45, %ne3A_48 : i1
      %sub3A_50 = arith.constant 1 : i32
      %sub3A_51 = arith.subi %div3A_30, %sub3A_50 : i32
      %select_n3A_52 = arith.select %and3A_49, %sub3A_51, %div3A_30 : i32
      %jit3A_53 = arith.constant 16 : i32
      %eq3A = arith.constant 0 : i32
      %eq3A_54 = arith.cmpi eq, %jit3A_53, %eq3A : i32
      %jit3A_55 = arith.constant 1 : i32
      %select_n3A_56 = arith.select %eq3A_54, %jit3A_55, %jit3A_53 : i32
      %rem3A_57 = arith.remsi %select_n3A_52, %select_n3A_56 : i32
      %ne3A_58 = arith.constant 0 : i32
      %ne3A_59 = arith.cmpi ne, %rem3A_57, %ne3A_58 : i32
      %lt3A = arith.constant 0 : i32
      %lt3A_60 = arith.cmpi slt, %rem3A_57, %lt3A : i32
      %lt3A_61 = arith.constant 0 : i32
      %lt3A_62 = arith.cmpi slt, %select_n3A_56, %lt3A_61 : i32
      %ne3A_63 = arith.xori %lt3A_60, %lt3A_62 : i1
      %and3A_64 = arith.andi %ne3A_63, %ne3A_59 : i1
      %add3A_65 = arith.addi %rem3A_57, %select_n3A_56 : i32
      %select_n3A_66 = arith.select %and3A_64, %add3A_65, %rem3A_57 : i32
      %jit3A_67 = arith.constant 4 : i32
      %eq3A_68 = arith.constant 0 : i32
      %eq3A_69 = arith.cmpi eq, %jit3A_67, %eq3A_68 : i32
      %jit3A_70 = arith.constant 1 : i32
      %select_n3A_71 = arith.select %eq3A_69, %jit3A_70, %jit3A_67 : i32
      %rem3A_72 = arith.remsi %add3A_12, %select_n3A_71 : i32
      %ne3A_73 = arith.constant 0 : i32
      %ne3A_74 = arith.cmpi ne, %rem3A_72, %ne3A_73 : i32
      %lt3A_75 = arith.constant 0 : i32
      %lt3A_76 = arith.cmpi slt, %rem3A_72, %lt3A_75 : i32
      %lt3A_77 = arith.constant 0 : i32
      %lt3A_78 = arith.cmpi slt, %select_n3A_71, %lt3A_77 : i32
      %ne3A_79 = arith.xori %lt3A_76, %lt3A_78 : i1
      %and3A_80 = arith.andi %ne3A_79, %ne3A_74 : i1
      %add3A_81 = arith.addi %rem3A_72, %select_n3A_71 : i32
      %select_n3A_82 = arith.select %and3A_80, %add3A_81, %rem3A_72 : i32
      %eq3A_83 = vector.broadcast %select_n3A_66 : i32 to vector<16xi32>
      %eq3A_84 = arith.cmpi eq, %iota3A, %eq3A_83 : vector<16xi32>
      %jit3A_85 = arith.constant 0 : i32
      %broadcast_in_dim3A = vector.broadcast %jit3A_85 : i32 to vector<16xi32>
      %select_n3A_86 = arith.select %eq3A_84, %get3A_1, %broadcast_in_dim3A : vector<16xi1>, vector<16xi32>
      %reduce_max3A = arith.constant true
      %reduce_max3A_87 = vector.broadcast %reduce_max3A : i1 to vector<16xi1>
      %reduce_max3A_88 = arith.constant -2147483648 : i32
      %reduce_max3A_89 = vector.broadcast %reduce_max3A_88 : i32 to vector<16xi32>
      %reduce_max3A_90 = arith.xori %select_n3A_86, %reduce_max3A_89 : vector<16xi32>
      %reduce_max3A_91 = tpu.scan <max>, %reduce_max3A_90 masked %reduce_max3A_87 : vector<16xi32>, vector<16xi1> -> vector<16xi32>
      %reduce_max3A_92 = arith.xori %reduce_max3A_91, %reduce_max3A_89 : vector<16xi32>
      %reduce_max3A_93 = vector.extract %reduce_max3A_92[15] : i32 from vector<16xi32>
      %mul3A_94 = arith.constant 256 : i32
      %mul3A_95 = arith.muli %select_n3A, %mul3A_94 : i32
      %lt3A_96 = arith.cmpi slt, %mul3A_95, %reduce_max3A_93 : i32
      %convert_element_type3A = arith.extui %lt3A_96 : i1 to i32
      %cond3A = arith.constant 0 : i32
      %cond3A_97 = arith.cmpi ne, %convert_element_type3A, %cond3A : i32
      scf.if %cond3A_97 {
        %mul3A_99 = arith.constant 128 : i32
        %mul3A_100 = arith.muli %select_n3A_66, %mul3A_99 : i32
        %mul3A_101 = arith.constant 16 : i32
        %mul3A_102 = arith.muli %select_n3A, %mul3A_101 : i32
        %add3A_103 = arith.addi %mul3A_100, %mul3A_102 : i32
        "tpu.region"() ({
          %run_scoped3A = tpu.sem_alloc : memref<!tpu.dma_semaphore, #tpu.memory_space<semaphore_mem>>
          %dma_start3A_286 = tpu.memref_slice %arg4[%add3A_103] : memref<2048xi32, #tpu.memory_space<hbm>> -> memref<16xi32, #tpu.memory_space<hbm>>
          %dma_start3A_287 = tpu.memref_slice %arg4[%add3A_103] : memref<2048xi32, #tpu.memory_space<hbm>> -> memref<16xi32, #tpu.memory_space<hbm>>
          tpu.enqueue_dma source(%dma_start3A_287 : memref<16xi32, #tpu.memory_space<hbm>>) target(%arg9 : memref<16xi32, #tpu.memory_space<vmem>>) target_semaphore(%run_scoped3A : memref<!tpu.dma_semaphore, #tpu.memory_space<semaphore_mem>>)
          %dma_wait3A_288 = tpu.memref_slice %arg4[%add3A_103] : memref<2048xi32, #tpu.memory_space<hbm>> -> memref<16xi32, #tpu.memory_space<hbm>>
          %dma_wait3A_289 = tpu.memref_slice %arg4[%add3A_103] : memref<2048xi32, #tpu.memory_space<hbm>> -> memref<16xi32, #tpu.memory_space<hbm>>
          tpu.wait_dma2 semaphore(%run_scoped3A : memref<!tpu.dma_semaphore, #tpu.memory_space<semaphore_mem>>) src(%dma_wait3A_289 : memref<16xi32, #tpu.memory_space<hbm>>) dst(%arg9 : memref<16xi32, #tpu.memory_space<vmem>>)
          tpu.yield
        }) : () -> ()
        %jit3A_104 = arith.constant 2 : i32
        %div3A_105 = vector.broadcast %jit3A_104 : i32 to vector<16xi32>
        %div3A_106 = arith.divsi %iota3A, %div3A_105 : vector<16xi32>
        %sign3A_107 = arith.constant 0 : i32
        %sign3A_108 = vector.broadcast %sign3A_107 : i32 to vector<16xi32>
        %sign3A_109 = arith.cmpi sgt, %iota3A, %sign3A_108 : vector<16xi32>
        %sign3A_110 = arith.extui %sign3A_109 : vector<16xi1> to vector<16xi32>
        %sign3A_111 = arith.constant 0 : i32
        %sign3A_112 = vector.broadcast %sign3A_111 : i32 to vector<16xi32>
        %sign3A_113 = arith.cmpi slt, %iota3A, %sign3A_112 : vector<16xi32>
        %sign3A_114 = arith.extui %sign3A_113 : vector<16xi1> to vector<16xi32>
        %sign3A_115 = arith.subi %sign3A_110, %sign3A_114 : vector<16xi32>
        %sign3A_116 = arith.constant 0 : i32
        %sign3A_117 = arith.cmpi sgt, %jit3A_104, %sign3A_116 : i32
        %sign3A_118 = arith.extui %sign3A_117 : i1 to i32
        %sign3A_119 = arith.constant 0 : i32
        %sign3A_120 = arith.cmpi slt, %jit3A_104, %sign3A_119 : i32
        %sign3A_121 = arith.extui %sign3A_120 : i1 to i32
        %sign3A_122 = arith.subi %sign3A_118, %sign3A_121 : i32
        %ne3A_123 = vector.broadcast %sign3A_122 : i32 to vector<16xi32>
        %ne3A_124 = arith.cmpi ne, %sign3A_115, %ne3A_123 : vector<16xi32>
        %rem3A_125 = vector.broadcast %jit3A_104 : i32 to vector<16xi32>
        %rem3A_126 = arith.remsi %iota3A, %rem3A_125 : vector<16xi32>
        %ne3A_127 = arith.constant 0 : i32
        %ne3A_128 = vector.broadcast %ne3A_127 : i32 to vector<16xi32>
        %ne3A_129 = arith.cmpi ne, %rem3A_126, %ne3A_128 : vector<16xi32>
        %and3A_130 = arith.andi %ne3A_124, %ne3A_129 : vector<16xi1>
        %sub3A_131 = arith.constant 1 : i32
        %sub3A_132 = vector.broadcast %sub3A_131 : i32 to vector<16xi32>
        %sub3A_133 = arith.subi %div3A_106, %sub3A_132 : vector<16xi32>
        %select_n3A_134 = arith.select %and3A_130, %sub3A_133, %div3A_106 : vector<16xi1>, vector<16xi32>
        %add3A_135 = arith.constant 0 : i32
        %add3A_136 = vector.broadcast %add3A_135 : i32 to vector<16xi32>
        %add3A_137 = arith.addi %select_n3A_134, %add3A_136 : vector<16xi32>
        %gather3A = tpu.vector_load_idx %arg9[%add3A_137] : memref<16xi32, #tpu.memory_space<vmem>>[vector<16xi32>], vector<16xi32>,
        %mul3A_138 = arith.constant 8 : i32
        %mul3A_139 = vector.broadcast %mul3A_138 : i32 to vector<16xi32>
        %mul3A_140 = arith.muli %gather3A, %mul3A_139 : vector<16xi32>
        %mul3A_141 = arith.constant 2 : i32
        %mul3A_142 = arith.muli %select_n3A_82, %mul3A_141 : i32
        %jit3A_143 = arith.constant 2 : i32
        %eq3A_144 = arith.constant 0 : i32
        %eq3A_145 = arith.cmpi eq, %jit3A_143, %eq3A_144 : i32
        %jit3A_146 = arith.constant 1 : i32
        %select_n3A_147 = arith.select %eq3A_145, %jit3A_146, %jit3A_143 : i32
        %rem3A_148 = vector.broadcast %select_n3A_147 : i32 to vector<16xi32>
        %rem3A_149 = arith.remsi %iota3A, %rem3A_148 : vector<16xi32>
        %ne3A_150 = arith.constant 0 : i32
        %ne3A_151 = vector.broadcast %ne3A_150 : i32 to vector<16xi32>
        %ne3A_152 = arith.cmpi ne, %rem3A_149, %ne3A_151 : vector<16xi32>
        %lt3A_153 = arith.constant 0 : i32
        %lt3A_154 = vector.broadcast %lt3A_153 : i32 to vector<16xi32>
        %lt3A_155 = arith.cmpi slt, %rem3A_149, %lt3A_154 : vector<16xi32>
        %lt3A_156 = arith.constant 0 : i32
        %lt3A_157 = arith.cmpi slt, %select_n3A_147, %lt3A_156 : i32
        %ne3A_158 = vector.broadcast %lt3A_157 : i1 to vector<16xi1>
        %ne3A_159 = vector.broadcast %ne3A_158 : vector<16xi1> to vector<16xi1>
        %ne3A_160 = arith.xori %lt3A_155, %ne3A_159 : vector<16xi1>
        %and3A_161 = arith.andi %ne3A_160, %ne3A_152 : vector<16xi1>
        %add3A_162 = vector.broadcast %select_n3A_147 : i32 to vector<16xi32>
        %add3A_163 = arith.addi %rem3A_149, %add3A_162 : vector<16xi32>
        %select_n3A_164 = arith.select %and3A_161, %add3A_163, %rem3A_149 : vector<16xi1>, vector<16xi32>
        %add3A_165 = vector.broadcast %mul3A_142 : i32 to vector<16xi32>
        %add3A_166 = arith.addi %add3A_165, %select_n3A_164 : vector<16xi32>
        %add3A_167 = arith.addi %mul3A_140, %add3A_166 : vector<16xi32>
        %swap3A = arith.constant 0 : index
        %swap3A_168 = tpu.vector_load %arg10[%swap3A] {strides = array<i32>} : memref<32xi32, #tpu.memory_space<vmem>>, vector<16xi32>,
        tpu.vector_store %arg10[%swap3A], %add3A_167 {strides = array<i32>} : memref<32xi32, #tpu.memory_space<vmem>>, vector<16xi32>,
        %jit3A_169 = arith.constant 2 : i32
        %div3A_170 = vector.broadcast %jit3A_169 : i32 to vector<16xi32>
        %div3A_171 = arith.divsi %iota3A, %div3A_170 : vector<16xi32>
        %sign3A_172 = arith.constant 0 : i32
        %sign3A_173 = vector.broadcast %sign3A_172 : i32 to vector<16xi32>
        %sign3A_174 = arith.cmpi sgt, %iota3A, %sign3A_173 : vector<16xi32>
        %sign3A_175 = arith.extui %sign3A_174 : vector<16xi1> to vector<16xi32>
        %sign3A_176 = arith.constant 0 : i32
        %sign3A_177 = vector.broadcast %sign3A_176 : i32 to vector<16xi32>
        %sign3A_178 = arith.cmpi slt, %iota3A, %sign3A_177 : vector<16xi32>
        %sign3A_179 = arith.extui %sign3A_178 : vector<16xi1> to vector<16xi32>
        %sign3A_180 = arith.subi %sign3A_175, %sign3A_179 : vector<16xi32>
        %sign3A_181 = arith.constant 0 : i32
        %sign3A_182 = arith.cmpi sgt, %jit3A_169, %sign3A_181 : i32
        %sign3A_183 = arith.extui %sign3A_182 : i1 to i32
        %sign3A_184 = arith.constant 0 : i32
        %sign3A_185 = arith.cmpi slt, %jit3A_169, %sign3A_184 : i32
        %sign3A_186 = arith.extui %sign3A_185 : i1 to i32
        %sign3A_187 = arith.subi %sign3A_183, %sign3A_186 : i32
        %ne3A_188 = vector.broadcast %sign3A_187 : i32 to vector<16xi32>
        %ne3A_189 = arith.cmpi ne, %sign3A_180, %ne3A_188 : vector<16xi32>
        %rem3A_190 = vector.broadcast %jit3A_169 : i32 to vector<16xi32>
        %rem3A_191 = arith.remsi %iota3A, %rem3A_190 : vector<16xi32>
        %ne3A_192 = arith.constant 0 : i32
        %ne3A_193 = vector.broadcast %ne3A_192 : i32 to vector<16xi32>
        %ne3A_194 = arith.cmpi ne, %rem3A_191, %ne3A_193 : vector<16xi32>
        %and3A_195 = arith.andi %ne3A_189, %ne3A_194 : vector<16xi1>
        %sub3A_196 = arith.constant 1 : i32
        %sub3A_197 = vector.broadcast %sub3A_196 : i32 to vector<16xi32>
        %sub3A_198 = arith.subi %div3A_171, %sub3A_197 : vector<16xi32>
        %select_n3A_199 = arith.select %and3A_195, %sub3A_198, %div3A_171 : vector<16xi1>, vector<16xi32>
        %add3A_200 = arith.constant 8 : i32
        %add3A_201 = vector.broadcast %add3A_200 : i32 to vector<16xi32>
        %add3A_202 = arith.addi %select_n3A_199, %add3A_201 : vector<16xi32>
        %gather3A_203 = tpu.vector_load_idx %arg9[%add3A_202] : memref<16xi32, #tpu.memory_space<vmem>>[vector<16xi32>], vector<16xi32>,
        %mul3A_204 = arith.constant 8 : i32
        %mul3A_205 = vector.broadcast %mul3A_204 : i32 to vector<16xi32>
        %mul3A_206 = arith.muli %gather3A_203, %mul3A_205 : vector<16xi32>
        %mul3A_207 = arith.constant 2 : i32
        %mul3A_208 = arith.muli %select_n3A_82, %mul3A_207 : i32
        %jit3A_209 = arith.constant 2 : i32
        %eq3A_210 = arith.constant 0 : i32
        %eq3A_211 = arith.cmpi eq, %jit3A_209, %eq3A_210 : i32
        %jit3A_212 = arith.constant 1 : i32
        %select_n3A_213 = arith.select %eq3A_211, %jit3A_212, %jit3A_209 : i32
        %rem3A_214 = vector.broadcast %select_n3A_213 : i32 to vector<16xi32>
        %rem3A_215 = arith.remsi %iota3A, %rem3A_214 : vector<16xi32>
        %ne3A_216 = arith.constant 0 : i32
        %ne3A_217 = vector.broadcast %ne3A_216 : i32 to vector<16xi32>
        %ne3A_218 = arith.cmpi ne, %rem3A_215, %ne3A_217 : vector<16xi32>
        %lt3A_219 = arith.constant 0 : i32
        %lt3A_220 = vector.broadcast %lt3A_219 : i32 to vector<16xi32>
        %lt3A_221 = arith.cmpi slt, %rem3A_215, %lt3A_220 : vector<16xi32>
        %lt3A_222 = arith.constant 0 : i32
        %lt3A_223 = arith.cmpi slt, %select_n3A_213, %lt3A_222 : i32
        %ne3A_224 = vector.broadcast %lt3A_223 : i1 to vector<16xi1>
        %ne3A_225 = vector.broadcast %ne3A_224 : vector<16xi1> to vector<16xi1>
        %ne3A_226 = arith.xori %lt3A_221, %ne3A_225 : vector<16xi1>
        %and3A_227 = arith.andi %ne3A_226, %ne3A_218 : vector<16xi1>
        %add3A_228 = vector.broadcast %select_n3A_213 : i32 to vector<16xi32>
        %add3A_229 = arith.addi %rem3A_215, %add3A_228 : vector<16xi32>
        %select_n3A_230 = arith.select %and3A_227, %add3A_229, %rem3A_215 : vector<16xi1>, vector<16xi32>
        %add3A_231 = vector.broadcast %mul3A_208 : i32 to vector<16xi32>
        %add3A_232 = arith.addi %add3A_231, %select_n3A_230 : vector<16xi32>
        %add3A_233 = arith.addi %mul3A_206, %add3A_232 : vector<16xi32>
        %swap3A_234 = arith.constant 16 : index
        %swap3A_235 = tpu.vector_load %arg10[%swap3A_234] {strides = array<i32>} : memref<32xi32, #tpu.memory_space<vmem>>, vector<16xi32>,
        tpu.vector_store %arg10[%swap3A_234], %add3A_233 {strides = array<i32>} : memref<32xi32, #tpu.memory_space<vmem>>, vector<16xi32>,
        %dma_start3A = arith.constant 0 : i32
        %dma_start3A_236 = arith.constant 0 : i32
        %dma_start3A_237 = arith.constant 0 : i32
        %dma_start3A_238 = tpu.memref_slice %arg2[%dma_start3A, %dma_start3A_236, %dma_start3A_237] : memref<16384x8x128xf32, #tpu.memory_space<hbm>> -> memref<16384x8x128xf32, #tpu.memory_space<hbm>>
        tpu.enqueue_indirect_dma source(%dma_start3A_238 : memref<16384x8x128xf32, #tpu.memory_space<hbm>>) target(%arg11 : memref<32x8x128xf32, #tpu.memory_space<vmem>>) offsets(%arg10 : memref<32xi32, #tpu.memory_space<vmem>>) semaphore(%arg12 : memref<!tpu.dma_semaphore, #tpu.memory_space<semaphore_mem>>)
        %dma_wait3A = arith.constant 0 : i32
        %dma_wait3A_239 = arith.constant 0 : i32
        %dma_wait3A_240 = arith.constant 0 : i32
        %dma_wait3A_241 = tpu.memref_slice %arg2[%dma_wait3A, %dma_wait3A_239, %dma_wait3A_240] : memref<16384x8x128xf32, #tpu.memory_space<hbm>> -> memref<16384x8x128xf32, #tpu.memory_space<hbm>>
        tpu.wait_indirect_dma semaphore(%arg12 : memref<!tpu.dma_semaphore, #tpu.memory_space<semaphore_mem>>) src(%dma_wait3A_241 : memref<16384x8x128xf32, #tpu.memory_space<hbm>>) dst(%arg11 : memref<32x8x128xf32, #tpu.memory_space<vmem>>)
        %mul3A_242 = arith.constant 32 : i32
        %mul3A_243 = arith.muli %select_n3A, %mul3A_242 : i32
        %dma_start3A_244 = arith.constant 0 : i32
        %dma_start3A_245 = arith.constant 0 : i32
        %dma_start3A_246 = tpu.memref_slice %arg6[%select_n3A_66, %select_n3A_82, %mul3A_243, %dma_start3A_244, %dma_start3A_245] : memref<16x4x256x8x128xf32, #tpu.memory_space<hbm>> -> memref<1x1x32x8x128xf32, #tpu.memory_space<hbm>>
        %dma_start3A_247 = tpu.memref_squeeze %dma_start3A_246 : memref<1x1x32x8x128xf32, #tpu.memory_space<hbm>> -> memref<32x8x128xf32, #tpu.memory_space<hbm>>
        %dma_start3A_248 = arith.constant 0 : i32
        %dma_start3A_249 = arith.constant 0 : i32
        %dma_start3A_250 = tpu.memref_slice %arg6[%select_n3A_66, %select_n3A_82, %mul3A_243, %dma_start3A_248, %dma_start3A_249] : memref<16x4x256x8x128xf32, #tpu.memory_space<hbm>> -> memref<1x1x32x8x128xf32, #tpu.memory_space<hbm>>
        %dma_start3A_251 = tpu.memref_squeeze %dma_start3A_250 : memref<1x1x32x8x128xf32, #tpu.memory_space<hbm>> -> memref<32x8x128xf32, #tpu.memory_space<hbm>>
        tpu.enqueue_dma source(%arg11 : memref<32x8x128xf32, #tpu.memory_space<vmem>>) target(%dma_start3A_251 : memref<32x8x128xf32, #tpu.memory_space<hbm>>) target_semaphore(%arg13 : memref<!tpu.dma_semaphore, #tpu.memory_space<semaphore_mem>>)
        %dma_wait3A_252 = arith.constant 0 : i32
        %dma_wait3A_253 = arith.constant 0 : i32
        %dma_wait3A_254 = tpu.memref_slice %arg6[%select_n3A_66, %select_n3A_82, %mul3A_243, %dma_wait3A_252, %dma_wait3A_253] : memref<16x4x256x8x128xf32, #tpu.memory_space<hbm>> -> memref<1x1x32x8x128xf32, #tpu.memory_space<hbm>>
        %dma_wait3A_255 = tpu.memref_squeeze %dma_wait3A_254 : memref<1x1x32x8x128xf32, #tpu.memory_space<hbm>> -> memref<32x8x128xf32, #tpu.memory_space<hbm>>
        %dma_wait3A_256 = arith.constant 0 : i32
        %dma_wait3A_257 = arith.constant 0 : i32
        %dma_wait3A_258 = tpu.memref_slice %arg6[%select_n3A_66, %select_n3A_82, %mul3A_243, %dma_wait3A_256, %dma_wait3A_257] : memref<16x4x256x8x128xf32, #tpu.memory_space<hbm>> -> memref<1x1x32x8x128xf32, #tpu.memory_space<hbm>>
        %dma_wait3A_259 = tpu.memref_squeeze %dma_wait3A_258 : memref<1x1x32x8x128xf32, #tpu.memory_space<hbm>> -> memref<32x8x128xf32, #tpu.memory_space<hbm>>
        tpu.wait_dma2 semaphore(%arg13 : memref<!tpu.dma_semaphore, #tpu.memory_space<semaphore_mem>>) src(%arg11 : memref<32x8x128xf32, #tpu.memory_space<vmem>>) dst(%dma_wait3A_259 : memref<32x8x128xf32, #tpu.memory_space<hbm>>)
        %dma_start3A_260 = arith.constant 0 : i32
        %dma_start3A_261 = arith.constant 0 : i32
        %dma_start3A_262 = arith.constant 0 : i32
        %dma_start3A_263 = tpu.memref_slice %arg3[%dma_start3A_260, %dma_start3A_261, %dma_start3A_262] : memref<16384x8x128xf32, #tpu.memory_space<hbm>> -> memref<16384x8x128xf32, #tpu.memory_space<hbm>>
        tpu.enqueue_indirect_dma source(%dma_start3A_263 : memref<16384x8x128xf32, #tpu.memory_space<hbm>>) target(%arg11 : memref<32x8x128xf32, #tpu.memory_space<vmem>>) offsets(%arg10 : memref<32xi32, #tpu.memory_space<vmem>>) semaphore(%arg12 : memref<!tpu.dma_semaphore, #tpu.memory_space<semaphore_mem>>)
        %dma_wait3A_264 = arith.constant 0 : i32
        %dma_wait3A_265 = arith.constant 0 : i32
        %dma_wait3A_266 = arith.constant 0 : i32
        %dma_wait3A_267 = tpu.memref_slice %arg3[%dma_wait3A_264, %dma_wait3A_265, %dma_wait3A_266] : memref<16384x8x128xf32, #tpu.memory_space<hbm>> -> memref<16384x8x128xf32, #tpu.memory_space<hbm>>
        tpu.wait_indirect_dma semaphore(%arg12 : memref<!tpu.dma_semaphore, #tpu.memory_space<semaphore_mem>>) src(%dma_wait3A_267 : memref<16384x8x128xf32, #tpu.memory_space<hbm>>) dst(%arg11 : memref<32x8x128xf32, #tpu.memory_space<vmem>>)
        %mul3A_268 = arith.constant 32 : i32
        %mul3A_269 = arith.muli %select_n3A, %mul3A_268 : i32
        %dma_start3A_270 = arith.constant 0 : i32
        %dma_start3A_271 = arith.constant 0 : i32
        %dma_start3A_272 = tpu.memref_slice %arg7[%select_n3A_66, %select_n3A_82, %mul3A_269, %dma_start3A_270, %dma_start3A_271] : memref<16x4x256x8x128xf32, #tpu.memory_space<hbm>> -> memref<1x1x32x8x128xf32, #tpu.memory_space<hbm>>
        %dma_start3A_273 = tpu.memref_squeeze %dma_start3A_272 : memref<1x1x32x8x128xf32, #tpu.memory_space<hbm>> -> memref<32x8x128xf32, #tpu.memory_space<hbm>>
        %dma_start3A_274 = arith.constant 0 : i32
        %dma_start3A_275 = arith.constant 0 : i32
        %dma_start3A_276 = tpu.memref_slice %arg7[%select_n3A_66, %select_n3A_82, %mul3A_269, %dma_start3A_274, %dma_start3A_275] : memref<16x4x256x8x128xf32, #tpu.memory_space<hbm>> -> memref<1x1x32x8x128xf32, #tpu.memory_space<hbm>>
        %dma_start3A_277 = tpu.memref_squeeze %dma_start3A_276 : memref<1x1x32x8x128xf32, #tpu.memory_space<hbm>> -> memref<32x8x128xf32, #tpu.memory_space<hbm>>
        tpu.enqueue_dma source(%arg11 : memref<32x8x128xf32, #tpu.memory_space<vmem>>) target(%dma_start3A_277 : memref<32x8x128xf32, #tpu.memory_space<hbm>>) target_semaphore(%arg13 : memref<!tpu.dma_semaphore, #tpu.memory_space<semaphore_mem>>)
        %dma_wait3A_278 = arith.constant 0 : i32
        %dma_wait3A_279 = arith.constant 0 : i32
        %dma_wait3A_280 = tpu.memref_slice %arg7[%select_n3A_66, %select_n3A_82, %mul3A_269, %dma_wait3A_278, %dma_wait3A_279] : memref<16x4x256x8x128xf32, #tpu.memory_space<hbm>> -> memref<1x1x32x8x128xf32, #tpu.memory_space<hbm>>
        %dma_wait3A_281 = tpu.memref_squeeze %dma_wait3A_280 : memref<1x1x32x8x128xf32, #tpu.memory_space<hbm>> -> memref<32x8x128xf32, #tpu.memory_space<hbm>>
        %dma_wait3A_282 = arith.constant 0 : i32
        %dma_wait3A_283 = arith.constant 0 : i32
        %dma_wait3A_284 = tpu.memref_slice %arg7[%select_n3A_66, %select_n3A_82, %mul3A_269, %dma_wait3A_282, %dma_wait3A_283] : memref<16x4x256x8x128xf32, #tpu.memory_space<hbm>> -> memref<1x1x32x8x128xf32, #tpu.memory_space<hbm>>
        %dma_wait3A_285 = tpu.memref_squeeze %dma_wait3A_284 : memref<1x1x32x8x128xf32, #tpu.memory_space<hbm>> -> memref<32x8x128xf32, #tpu.memory_space<hbm>>
        tpu.wait_dma2 semaphore(%arg13 : memref<!tpu.dma_semaphore, #tpu.memory_space<semaphore_mem>>) src(%arg11 : memref<32x8x128xf32, #tpu.memory_space<vmem>>) dst(%dma_wait3A_285 : memref<32x8x128xf32, #tpu.memory_space<hbm>>)
      } else {
      }
      %scan3A_98 = arith.constant 0 : i32
      scf.yield %scan3A_98 : i32
    }
    %scan3A_7 = arith.constant 16 : i32
    return
  }
}

module attributes {stable_mosaic.version = 14 : i64} {
  func.func @_attn_body(%arg0: i32, %arg1: i32, %arg2: memref<16xi32, #tpu.memory_space<smem>>, %arg3: memref<16xi32, #tpu.memory_space<smem>>, %arg4: memref<1x1x2048xi32, #tpu.memory_space<vmem>>, %arg5: memref<1x1x4x128xf32, #tpu.memory_space<vmem>>, %arg6: memref<1x1x2048x128xf32, #tpu.memory_space<vmem>>, %arg7: memref<1x1x2048x128xf32, #tpu.memory_space<vmem>>, %arg8: memref<1x128x16xf32, #tpu.memory_space<vmem>>, %arg9: memref<1x128x16xf32, #tpu.memory_space<vmem>>, %arg10: memref<1x1x4x128xf32, #tpu.memory_space<vmem>>) attributes {dimension_semantics = [#tpu.dimension_semantics<arbitrary>, #tpu.dimension_semantics<arbitrary>], iteration_bounds = array<i64: 16, 4>, scalar_prefetch = 0 : i64, scratch_operands = 0 : i64, tpu.core_type = #tpu.core_type<tc>, window_params = [{transform_indices = @transform_0, window_bounds = array<i64: 16>}, {transform_indices = @transform_1, window_bounds = array<i64: 16>}, {transform_indices = @transform_2, window_bounds = array<i64: 1, 1, 2048>}, {transform_indices = @transform_3, window_bounds = array<i64: 1, 1, 4, 128>}, {transform_indices = @transform_4, window_bounds = array<i64: 1, 1, 2048, 128>}, {transform_indices = @transform_5, window_bounds = array<i64: 1, 1, 2048, 128>}, {transform_indices = @transform_6, window_bounds = array<i64: 1, 128, 16>}, {transform_indices = @transform_7, window_bounds = array<i64: 1, 128, 16>}, {transform_indices = @transform_8, window_bounds = array<i64: 1, 1, 4, 128>}]} {
    %get3A = arith.index_cast %arg0 : i32 to index
    %get3A_0 = memref.load %arg2[%get3A] : memref<16xi32, #tpu.memory_space<smem>>
    %get3A_1 = arith.constant 0 : index
    %get3A_2 = arith.constant 0 : index
    %get3A_3 = arith.constant 0 : index
    %get3A_4 = arith.constant 0 : index
    %get3A_5 = vector.load %arg5[%get3A_1, %get3A_2, %get3A_3, %get3A_4] : memref<1x1x4x128xf32, #tpu.memory_space<vmem>>, vector<1x1x4x128xf32>
    %get3A_6 = vector.shape_cast %get3A_5 : vector<1x1x4x128xf32> to vector<4x128xf32>
    %get3A_7 = arith.constant 0 : index
    %get3A_8 = arith.constant 0 : index
    %get3A_9 = arith.constant 0 : index
    %get3A_10 = arith.constant 0 : index
    %get3A_11 = vector.load %arg6[%get3A_7, %get3A_8, %get3A_9, %get3A_10] : memref<1x1x2048x128xf32, #tpu.memory_space<vmem>>, vector<1x1x2048x128xf32>
    %get3A_12 = vector.shape_cast %get3A_11 : vector<1x1x2048x128xf32> to vector<2048x128xf32>
    %get3A_13 = arith.constant 0 : index
    %get3A_14 = arith.constant 0 : index
    %get3A_15 = arith.constant 0 : index
    %get3A_16 = arith.constant 0 : index
    %get3A_17 = vector.load %arg7[%get3A_13, %get3A_14, %get3A_15, %get3A_16] : memref<1x1x2048x128xf32, #tpu.memory_space<vmem>>, vector<1x1x2048x128xf32>
    %get3A_18 = vector.shape_cast %get3A_17 : vector<1x1x2048x128xf32> to vector<2048x128xf32>
    %get3A_19 = arith.constant 0 : index
    %get3A_20 = arith.constant 0 : index
    %get3A_21 = arith.constant 0 : index
    %get3A_22 = vector.load %arg4[%get3A_19, %get3A_20, %get3A_21] : memref<1x1x2048xi32, #tpu.memory_space<vmem>>, vector<1x1x2048xi32>
    %get3A_23 = vector.shape_cast %get3A_22 : vector<1x1x2048xi32> to vector<1x2048xi32>
    %broadcast_in_dim3A = arith.constant 0 : i32
    %broadcast_in_dim3A_24 = vector.broadcast %broadcast_in_dim3A : i32 to vector<1x2048xi32>
    %get3A_25 = arith.constant 0 : index
    %get3A_26 = memref.load %arg3[%get3A_25] : memref<16xi32, #tpu.memory_space<smem>>
    %eq3A = vector.broadcast %get3A_26 : i32 to vector<1x2048xi32>
    %eq3A_27 = arith.cmpi eq, %get3A_23, %eq3A : vector<1x2048xi32>
    %jit3A = arith.constant 1 : i32
    %broadcast_in_dim3A_28 = vector.broadcast %jit3A : i32 to vector<1x2048xi32>
    %select_n3A = arith.select %eq3A_27, %broadcast_in_dim3A_28, %broadcast_in_dim3A_24 : vector<1x2048xi1>, vector<1x2048xi32>
    %get3A_29 = arith.constant 1 : index
    %get3A_30 = memref.load %arg3[%get3A_29] : memref<16xi32, #tpu.memory_space<smem>>
    %eq3A_31 = vector.broadcast %get3A_30 : i32 to vector<1x2048xi32>
    %eq3A_32 = arith.cmpi eq, %get3A_23, %eq3A_31 : vector<1x2048xi32>
    %jit3A_33 = arith.constant 2 : i32
    %broadcast_in_dim3A_34 = vector.broadcast %jit3A_33 : i32 to vector<1x2048xi32>
    %select_n3A_35 = arith.select %eq3A_32, %broadcast_in_dim3A_34, %select_n3A : vector<1x2048xi1>, vector<1x2048xi32>
    %get3A_36 = arith.constant 2 : index
    %get3A_37 = memref.load %arg3[%get3A_36] : memref<16xi32, #tpu.memory_space<smem>>
    %eq3A_38 = vector.broadcast %get3A_37 : i32 to vector<1x2048xi32>
    %eq3A_39 = arith.cmpi eq, %get3A_23, %eq3A_38 : vector<1x2048xi32>
    %jit3A_40 = arith.constant 3 : i32
    %broadcast_in_dim3A_41 = vector.broadcast %jit3A_40 : i32 to vector<1x2048xi32>
    %select_n3A_42 = arith.select %eq3A_39, %broadcast_in_dim3A_41, %select_n3A_35 : vector<1x2048xi1>, vector<1x2048xi32>
    %get3A_43 = arith.constant 3 : index
    %get3A_44 = memref.load %arg3[%get3A_43] : memref<16xi32, #tpu.memory_space<smem>>
    %eq3A_45 = vector.broadcast %get3A_44 : i32 to vector<1x2048xi32>
    %eq3A_46 = arith.cmpi eq, %get3A_23, %eq3A_45 : vector<1x2048xi32>
    %jit3A_47 = arith.constant 4 : i32
    %broadcast_in_dim3A_48 = vector.broadcast %jit3A_47 : i32 to vector<1x2048xi32>
    %select_n3A_49 = arith.select %eq3A_46, %broadcast_in_dim3A_48, %select_n3A_42 : vector<1x2048xi1>, vector<1x2048xi32>
    %get3A_50 = arith.constant 4 : index
    %get3A_51 = memref.load %arg3[%get3A_50] : memref<16xi32, #tpu.memory_space<smem>>
    %eq3A_52 = vector.broadcast %get3A_51 : i32 to vector<1x2048xi32>
    %eq3A_53 = arith.cmpi eq, %get3A_23, %eq3A_52 : vector<1x2048xi32>
    %jit3A_54 = arith.constant 5 : i32
    %broadcast_in_dim3A_55 = vector.broadcast %jit3A_54 : i32 to vector<1x2048xi32>
    %select_n3A_56 = arith.select %eq3A_53, %broadcast_in_dim3A_55, %select_n3A_49 : vector<1x2048xi1>, vector<1x2048xi32>
    %get3A_57 = arith.constant 5 : index
    %get3A_58 = memref.load %arg3[%get3A_57] : memref<16xi32, #tpu.memory_space<smem>>
    %eq3A_59 = vector.broadcast %get3A_58 : i32 to vector<1x2048xi32>
    %eq3A_60 = arith.cmpi eq, %get3A_23, %eq3A_59 : vector<1x2048xi32>
    %jit3A_61 = arith.constant 6 : i32
    %broadcast_in_dim3A_62 = vector.broadcast %jit3A_61 : i32 to vector<1x2048xi32>
    %select_n3A_63 = arith.select %eq3A_60, %broadcast_in_dim3A_62, %select_n3A_56 : vector<1x2048xi1>, vector<1x2048xi32>
    %get3A_64 = arith.constant 6 : index
    %get3A_65 = memref.load %arg3[%get3A_64] : memref<16xi32, #tpu.memory_space<smem>>
    %eq3A_66 = vector.broadcast %get3A_65 : i32 to vector<1x2048xi32>
    %eq3A_67 = arith.cmpi eq, %get3A_23, %eq3A_66 : vector<1x2048xi32>
    %jit3A_68 = arith.constant 7 : i32
    %broadcast_in_dim3A_69 = vector.broadcast %jit3A_68 : i32 to vector<1x2048xi32>
    %select_n3A_70 = arith.select %eq3A_67, %broadcast_in_dim3A_69, %select_n3A_63 : vector<1x2048xi1>, vector<1x2048xi32>
    %get3A_71 = arith.constant 7 : index
    %get3A_72 = memref.load %arg3[%get3A_71] : memref<16xi32, #tpu.memory_space<smem>>
    %eq3A_73 = vector.broadcast %get3A_72 : i32 to vector<1x2048xi32>
    %eq3A_74 = arith.cmpi eq, %get3A_23, %eq3A_73 : vector<1x2048xi32>
    %jit3A_75 = arith.constant 8 : i32
    %broadcast_in_dim3A_76 = vector.broadcast %jit3A_75 : i32 to vector<1x2048xi32>
    %select_n3A_77 = arith.select %eq3A_74, %broadcast_in_dim3A_76, %select_n3A_70 : vector<1x2048xi1>, vector<1x2048xi32>
    %get3A_78 = arith.constant 8 : index
    %get3A_79 = memref.load %arg3[%get3A_78] : memref<16xi32, #tpu.memory_space<smem>>
    %eq3A_80 = vector.broadcast %get3A_79 : i32 to vector<1x2048xi32>
    %eq3A_81 = arith.cmpi eq, %get3A_23, %eq3A_80 : vector<1x2048xi32>
    %jit3A_82 = arith.constant 9 : i32
    %broadcast_in_dim3A_83 = vector.broadcast %jit3A_82 : i32 to vector<1x2048xi32>
    %select_n3A_84 = arith.select %eq3A_81, %broadcast_in_dim3A_83, %select_n3A_77 : vector<1x2048xi1>, vector<1x2048xi32>
    %get3A_85 = arith.constant 9 : index
    %get3A_86 = memref.load %arg3[%get3A_85] : memref<16xi32, #tpu.memory_space<smem>>
    %eq3A_87 = vector.broadcast %get3A_86 : i32 to vector<1x2048xi32>
    %eq3A_88 = arith.cmpi eq, %get3A_23, %eq3A_87 : vector<1x2048xi32>
    %jit3A_89 = arith.constant 10 : i32
    %broadcast_in_dim3A_90 = vector.broadcast %jit3A_89 : i32 to vector<1x2048xi32>
    %select_n3A_91 = arith.select %eq3A_88, %broadcast_in_dim3A_90, %select_n3A_84 : vector<1x2048xi1>, vector<1x2048xi32>
    %get3A_92 = arith.constant 10 : index
    %get3A_93 = memref.load %arg3[%get3A_92] : memref<16xi32, #tpu.memory_space<smem>>
    %eq3A_94 = vector.broadcast %get3A_93 : i32 to vector<1x2048xi32>
    %eq3A_95 = arith.cmpi eq, %get3A_23, %eq3A_94 : vector<1x2048xi32>
    %jit3A_96 = arith.constant 11 : i32
    %broadcast_in_dim3A_97 = vector.broadcast %jit3A_96 : i32 to vector<1x2048xi32>
    %select_n3A_98 = arith.select %eq3A_95, %broadcast_in_dim3A_97, %select_n3A_91 : vector<1x2048xi1>, vector<1x2048xi32>
    %get3A_99 = arith.constant 11 : index
    %get3A_100 = memref.load %arg3[%get3A_99] : memref<16xi32, #tpu.memory_space<smem>>
    %eq3A_101 = vector.broadcast %get3A_100 : i32 to vector<1x2048xi32>
    %eq3A_102 = arith.cmpi eq, %get3A_23, %eq3A_101 : vector<1x2048xi32>
    %jit3A_103 = arith.constant 12 : i32
    %broadcast_in_dim3A_104 = vector.broadcast %jit3A_103 : i32 to vector<1x2048xi32>
    %select_n3A_105 = arith.select %eq3A_102, %broadcast_in_dim3A_104, %select_n3A_98 : vector<1x2048xi1>, vector<1x2048xi32>
    %get3A_106 = arith.constant 12 : index
    %get3A_107 = memref.load %arg3[%get3A_106] : memref<16xi32, #tpu.memory_space<smem>>
    %eq3A_108 = vector.broadcast %get3A_107 : i32 to vector<1x2048xi32>
    %eq3A_109 = arith.cmpi eq, %get3A_23, %eq3A_108 : vector<1x2048xi32>
    %jit3A_110 = arith.constant 13 : i32
    %broadcast_in_dim3A_111 = vector.broadcast %jit3A_110 : i32 to vector<1x2048xi32>
    %select_n3A_112 = arith.select %eq3A_109, %broadcast_in_dim3A_111, %select_n3A_105 : vector<1x2048xi1>, vector<1x2048xi32>
    %get3A_113 = arith.constant 13 : index
    %get3A_114 = memref.load %arg3[%get3A_113] : memref<16xi32, #tpu.memory_space<smem>>
    %eq3A_115 = vector.broadcast %get3A_114 : i32 to vector<1x2048xi32>
    %eq3A_116 = arith.cmpi eq, %get3A_23, %eq3A_115 : vector<1x2048xi32>
    %jit3A_117 = arith.constant 14 : i32
    %broadcast_in_dim3A_118 = vector.broadcast %jit3A_117 : i32 to vector<1x2048xi32>
    %select_n3A_119 = arith.select %eq3A_116, %broadcast_in_dim3A_118, %select_n3A_112 : vector<1x2048xi1>, vector<1x2048xi32>
    %get3A_120 = arith.constant 14 : index
    %get3A_121 = memref.load %arg3[%get3A_120] : memref<16xi32, #tpu.memory_space<smem>>
    %eq3A_122 = vector.broadcast %get3A_121 : i32 to vector<1x2048xi32>
    %eq3A_123 = arith.cmpi eq, %get3A_23, %eq3A_122 : vector<1x2048xi32>
    %jit3A_124 = arith.constant 15 : i32
    %broadcast_in_dim3A_125 = vector.broadcast %jit3A_124 : i32 to vector<1x2048xi32>
    %select_n3A_126 = arith.select %eq3A_123, %broadcast_in_dim3A_125, %select_n3A_119 : vector<1x2048xi1>, vector<1x2048xi32>
    %get3A_127 = arith.constant 15 : index
    %get3A_128 = memref.load %arg3[%get3A_127] : memref<16xi32, #tpu.memory_space<smem>>
    %eq3A_129 = vector.broadcast %get3A_128 : i32 to vector<1x2048xi32>
    %eq3A_130 = arith.cmpi eq, %get3A_23, %eq3A_129 : vector<1x2048xi32>
    %jit3A_131 = arith.constant 16 : i32
    %broadcast_in_dim3A_132 = vector.broadcast %jit3A_131 : i32 to vector<1x2048xi32>
    %select_n3A_133 = arith.select %eq3A_130, %broadcast_in_dim3A_132, %select_n3A_126 : vector<1x2048xi1>, vector<1x2048xi32>
    %iota3A = tpu.iota {dimensions = array<i32: 0>} : vector<16x2048xi32>
    %add3A = arith.constant 1 : i32
    %add3A_134 = vector.broadcast %add3A : i32 to vector<16x2048xi32>
    %add3A_135 = arith.addi %iota3A, %add3A_134 : vector<16x2048xi32>
    %eq3A_136 = vector.broadcast %select_n3A_133 : vector<1x2048xi32> to vector<16x2048xi32>
    %eq3A_137 = arith.cmpi eq, %add3A_135, %eq3A_136 : vector<16x2048xi32>
    %convert_element_type3A = arith.extui %eq3A_137 : vector<16x2048xi1> to vector<16x2048xi32>
    %convert_element_type3A_138 = arith.sitofp %convert_element_type3A : vector<16x2048xi32> to vector<16x2048xf32>
    %gt3A = arith.constant 0 : i32
    %gt3A_139 = vector.broadcast %gt3A : i32 to vector<1x2048xi32>
    %gt3A_140 = arith.cmpi sgt, %select_n3A_133, %gt3A_139 : vector<1x2048xi32>
    %dot_general3A = arith.constant dense<0.000000e+00> : vector<4x2048xf32>
    %dot_general3A_141 = tpu.matmul %get3A_6, %get3A_12, %dot_general3A {dimension_numbers = #tpu.dot_dimension_numbers<[1], [1], [0], [0], [0, 0, 1, 0], [], []>, transpose_lhs_hint = false} : vector<4x128xf32>, vector<2048x128xf32>, vector<4x2048xf32> -> vector<4x2048xf32>
    %get3A_142 = arith.constant 0 : index
    %get3A_143 = arith.constant 0 : index
    %get3A_144 = arith.constant 0 : index
    %get3A_145 = vector.load %arg8[%get3A_142, %get3A_143, %get3A_144] : memref<1x128x16xf32, #tpu.memory_space<vmem>>, vector<1x128x16xf32>
    %get3A_146 = vector.shape_cast %get3A_145 : vector<1x128x16xf32> to vector<128x16xf32>
    %dot_general3A_147 = arith.constant dense<0.000000e+00> : vector<4x16xf32>
    %dot_general3A_148 = tpu.matmul %get3A_6, %get3A_146, %dot_general3A_147 {dimension_numbers = #tpu.dot_dimension_numbers<[1], [0], [0], [1], [0, 0, 1, 1], [], []>, transpose_lhs_hint = false} : vector<4x128xf32>, vector<128x16xf32>, vector<4x16xf32> -> vector<4x16xf32>
    %dot_general3A_149 = arith.constant dense<0.000000e+00> : vector<4x2048xf32>
    %dot_general3A_150 = tpu.matmul %dot_general3A_148, %convert_element_type3A_138, %dot_general3A_149 {dimension_numbers = #tpu.dot_dimension_numbers<[1], [0], [0], [1], [0, 0, 1, 1], [], []>, transpose_lhs_hint = false} : vector<4x16xf32>, vector<16x2048xf32>, vector<4x2048xf32> -> vector<4x2048xf32>
    %broadcast_in_dim3A_151 = vector.shape_cast %gt3A_140 : vector<1x2048xi1> to vector<1x2048xi1>
    %broadcast_in_dim3A_152 = vector.broadcast %broadcast_in_dim3A_151 : vector<1x2048xi1> to vector<4x2048xi1>
    %select_n3A_153 = arith.select %broadcast_in_dim3A_152, %dot_general3A_150, %dot_general3A_141 : vector<4x2048xi1>, vector<4x2048xf32>
    %mul3A = arith.constant 0.0883883461 : f32
    %mul3A_154 = vector.broadcast %mul3A : f32 to vector<4x2048xf32>
    %mul3A_155 = arith.mulf %select_n3A_153, %mul3A_154 : vector<4x2048xf32>
    %iota3A_156 = tpu.iota {dimensions = array<i32: 1>} : vector<1x2048xi32>
    %lt3A = vector.broadcast %get3A_0 : i32 to vector<1x2048xi32>
    %lt3A_157 = arith.cmpi slt, %iota3A_156, %lt3A : vector<1x2048xi32>
    %jit3A_158 = arith.constant -3.40282347E+38 : f32
    %broadcast_in_dim3A_159 = vector.shape_cast %lt3A_157 : vector<1x2048xi1> to vector<1x2048xi1>
    %broadcast_in_dim3A_160 = vector.broadcast %broadcast_in_dim3A_159 : vector<1x2048xi1> to vector<4x2048xi1>
    %broadcast_in_dim3A_161 = vector.broadcast %jit3A_158 : f32 to vector<4x2048xf32>
    %select_n3A_162 = arith.select %broadcast_in_dim3A_160, %mul3A_155, %broadcast_in_dim3A_161 : vector<4x2048xi1>, vector<4x2048xf32>
    %reduce_max3A = arith.constant dense<0xFF800000> : vector<4xf32>
    %reduce_max3A_163 = vector.multi_reduction <maximumf>, %select_n3A_162, %reduce_max3A [1] : vector<4x2048xf32> to vector<4xf32>
    %broadcast_in_dim3A_164 = vector.shape_cast %reduce_max3A_163 : vector<4xf32> to vector<4x1xf32>
    %sub3A = vector.broadcast %broadcast_in_dim3A_164 : vector<4x1xf32> to vector<4x2048xf32>
    %sub3A_165 = arith.subf %select_n3A_162, %sub3A : vector<4x2048xf32>
    %exp3A = math.exp %sub3A_165 : vector<4x2048xf32>
    %reduce_sum3A = arith.constant dense<0.000000e+00> : vector<4xf32>
    %reduce_sum3A_166 = vector.multi_reduction <add>, %exp3A, %reduce_sum3A [1] : vector<4x2048xf32> to vector<4xf32>
    %broadcast_in_dim3A_167 = vector.shape_cast %reduce_sum3A_166 : vector<4xf32> to vector<4x1xf32>
    %jit3A_168 = arith.constant 0.000000e+00 : f32
    %broadcast_in_dim3A_169 = vector.shape_cast %gt3A_140 : vector<1x2048xi1> to vector<1x2048xi1>
    %broadcast_in_dim3A_170 = vector.broadcast %broadcast_in_dim3A_169 : vector<1x2048xi1> to vector<4x2048xi1>
    %broadcast_in_dim3A_171 = vector.broadcast %jit3A_168 : f32 to vector<4x2048xf32>
    %select_n3A_172 = arith.select %broadcast_in_dim3A_170, %broadcast_in_dim3A_171, %exp3A : vector<4x2048xi1>, vector<4x2048xf32>
    %dot_general3A_173 = arith.constant dense<0.000000e+00> : vector<4x16xf32>
    %dot_general3A_174 = tpu.matmul %exp3A, %convert_element_type3A_138, %dot_general3A_173 {dimension_numbers = #tpu.dot_dimension_numbers<[1], [1], [0], [0], [0, 0, 1, 0], [], []>, transpose_lhs_hint = false} : vector<4x2048xf32>, vector<16x2048xf32>, vector<4x16xf32> -> vector<4x16xf32>
    %dot_general3A_175 = arith.constant dense<0.000000e+00> : vector<4x128xf32>
    %dot_general3A_176 = tpu.matmul %select_n3A_172, %get3A_18, %dot_general3A_175 {dimension_numbers = #tpu.dot_dimension_numbers<[1], [0], [0], [1], [0, 0, 1, 1], [], []>, transpose_lhs_hint = false} : vector<4x2048xf32>, vector<2048x128xf32>, vector<4x128xf32> -> vector<4x128xf32>
    %get3A_177 = arith.constant 0 : index
    %get3A_178 = arith.constant 0 : index
    %get3A_179 = arith.constant 0 : index
    %get3A_180 = vector.load %arg9[%get3A_177, %get3A_178, %get3A_179] : memref<1x128x16xf32, #tpu.memory_space<vmem>>, vector<1x128x16xf32>
    %get3A_181 = vector.shape_cast %get3A_180 : vector<1x128x16xf32> to vector<128x16xf32>
    %dot_general3A_182 = arith.constant dense<0.000000e+00> : vector<4x128xf32>
    %dot_general3A_183 = tpu.matmul %dot_general3A_174, %get3A_181, %dot_general3A_182 {dimension_numbers = #tpu.dot_dimension_numbers<[1], [1], [0], [0], [0, 0, 1, 0], [], []>, transpose_lhs_hint = false} : vector<4x16xf32>, vector<128x16xf32>, vector<4x128xf32> -> vector<4x128xf32>
    %add3A_184 = arith.addf %dot_general3A_176, %dot_general3A_183 : vector<4x128xf32>
    %div3A = vector.broadcast %broadcast_in_dim3A_167 : vector<4x1xf32> to vector<4x128xf32>
    %div3A_185 = arith.divf %add3A_184, %div3A : vector<4x128xf32>
    %swap3A = arith.constant 0 : index
    %swap3A_186 = arith.constant 0 : index
    %swap3A_187 = arith.constant 0 : index
    %swap3A_188 = arith.constant 0 : index
    %swap3A_189 = vector.load %arg10[%swap3A, %swap3A_186, %swap3A_187, %swap3A_188] : memref<1x1x4x128xf32, #tpu.memory_space<vmem>>, vector<1x1x4x128xf32>
    %swap3A_190 = vector.shape_cast %swap3A_189 : vector<1x1x4x128xf32> to vector<4x128xf32>
    %swap3A_191 = vector.shape_cast %div3A_185 : vector<4x128xf32> to vector<1x1x4x128xf32>
    tpu.vector_store %arg10[%swap3A, %swap3A_186, %swap3A_187, %swap3A_188], %swap3A_191 {strides = array<i32>} : memref<1x1x4x128xf32, #tpu.memory_space<vmem>>, vector<1x1x4x128xf32>,
    return
  }
  func.func @transform_0(%arg0: i32, %arg1: i32) -> i32 {
    %c0_i32 = arith.constant 0 : i32
    %c0_i32_0 = arith.constant 0 : i32
    return %c0_i32 : i32
  }
  func.func @transform_1(%arg0: i32, %arg1: i32) -> i32 {
    %c0_i32 = arith.constant 0 : i32
    %c0_i32_0 = arith.constant 0 : i32
    return %c0_i32 : i32
  }
  func.func @transform_2(%arg0: i32, %arg1: i32) -> (i32, i32, i32) {
    %c0_i32 = arith.constant 0 : i32
    %c0_i32_0 = arith.constant 0 : i32
    %c0_i32_1 = arith.constant 0 : i32
    return %arg0, %c0_i32, %c0_i32_0 : i32, i32, i32
  }
  func.func @transform_3(%arg0: i32, %arg1: i32) -> (i32, i32, i32, i32) {
    %c0_i32 = arith.constant 0 : i32
    %c0_i32_0 = arith.constant 0 : i32
    %c0_i32_1 = arith.constant 0 : i32
    return %arg0, %arg1, %c0_i32, %c0_i32_0 : i32, i32, i32, i32
  }
  func.func @transform_4(%arg0: i32, %arg1: i32) -> (i32, i32, i32, i32) {
    %c0_i32 = arith.constant 0 : i32
    %c0_i32_0 = arith.constant 0 : i32
    %c0_i32_1 = arith.constant 0 : i32
    return %arg0, %arg1, %c0_i32, %c0_i32_0 : i32, i32, i32, i32
  }
  func.func @transform_5(%arg0: i32, %arg1: i32) -> (i32, i32, i32, i32) {
    %c0_i32 = arith.constant 0 : i32
    %c0_i32_0 = arith.constant 0 : i32
    %c0_i32_1 = arith.constant 0 : i32
    return %arg0, %arg1, %c0_i32, %c0_i32_0 : i32, i32, i32, i32
  }
  func.func @transform_6(%arg0: i32, %arg1: i32) -> (i32, i32, i32) {
    %c0_i32 = arith.constant 0 : i32
    %c0_i32_0 = arith.constant 0 : i32
    %c0_i32_1 = arith.constant 0 : i32
    return %arg1, %c0_i32, %c0_i32_0 : i32, i32, i32
  }
  func.func @transform_7(%arg0: i32, %arg1: i32) -> (i32, i32, i32) {
    %c0_i32 = arith.constant 0 : i32
    %c0_i32_0 = arith.constant 0 : i32
    %c0_i32_1 = arith.constant 0 : i32
    return %arg1, %c0_i32, %c0_i32_0 : i32, i32, i32
  }
  func.func @transform_8(%arg0: i32, %arg1: i32) -> (i32, i32, i32, i32) {
    %c0_i32 = arith.constant 0 : i32
    %c0_i32_0 = arith.constant 0 : i32
    %c0_i32_1 = arith.constant 0 : i32
    return %arg0, %arg1, %c0_i32, %c0_i32_0 : i32, i32, i32, i32
  }
}

</mosaic_0001>

<sc_bundles>
// kernel: kernel.4.cloned.1.call-start
scs
__scs_entry_jumppad:
0x0: {  	(pc) =	sbr.rel $0x88, $3  }
0x1: {  	(tag) =	ssettag $0x0;
	lr =	simm.s32 $0x1  }
0x2: {  	[smem:$0x3F99] =	sst lr;
	_ =	strace $0xD0000000  }
0x3: {  	_ = 	snop  }
0x4: {  	_ = 	snop  }
0x5: {  	_ = 	snop  }
0x6: {  	_ = 	snop  }
0x7: {  	_ = 	snop  }
__scs_overlays_trampoline_lowered:
0x8: {  	[smem:$0x3FA8] =	sst s0  }
0x9: {  	[smem:$0x3FA9] =	sst s1  }
0xa: {  	[smem:$0x3FAA] =	sst s2  }
0xb: {  	[smem:$0x3FAB] =	sst s3  }
0xc: {  	[smem:$0x3FAC] =	sst s4  }
0xd: {  	[smem:$0x3FAD] =	sst s5  }
0xe: {  	[smem:$0x3FAE] =	sst s6  }
0xf: {  	[smem:$0x3FAF] =	sst s7  }
0x10: {  	[smem:$0x3FB0] =	sst s8  }
0x11: {  	[smem:$0x3FB1] =	sst s9;
	s0 =	simm.s32 @!p0 $0x0  }
0x12: {  	s1 =	sld [smem:$0x3F97];
	s0 =	simm.s32 @p0 $0x1  }
0x13: {  	[smem:$0x3FB2] =	sst s0;
	s0 =	simm.s32 @!p1 $0x0  }
0x14: {  	s2 =	sld [smem:$0x3F96];
	s0 =	simm.s32 @p1 $0x1  }
0x15: {  	[smem:$0x3FB3] =	sst s0;
	s0 =	simm.s32 @!p2 $0x0  }
0x16: {  	s3 =	sld [smem:$0x3FDB];
	s0 =	simm.s32 @p2 $0x1  }
0x17: {  	s4 =	simm.s32 $0x1BF5;
	[smem:$0x3FB5] =	sst s0  }
0x18: {  	s0 =	sld [smem:$0x3F98];
	_ =	swait.ge [sflag:s4], $0x0  }
0x19: {  	s7 =	sld [smem:$0x3F99]  }
0x1a: {  	s8 =	sadd.s32 $0xFFFFE003, lr  }
0x1b: {  	s9 =	sadd.s32 $0xFFFFFEF7, lr;
	s5 =	simm.s32 $0xFFFFFFFF;
	p2 =	slt.u32 s8, $0xFFFFF086  }
0x1c: {  	p1 =	slt.u32 s9, $0xF7A;
	s5 =	simm.s32 @!p2 $0x0  }
0x1d: {  	s5 =	simm.s32 @p1 $0x1;
	p0 =	seq.s32 s7, s2  }
0x1e: {  	s7 =	smul.u32 @!p0 $0xF7A, s2;
	p2 =	seq.s32 @!p0 s5, $0x0  }
0x1f: {  	s9 =	smul.u32 $0xF7A, s1;
	s8 =	simm.s32 @!p0 $0x1BF5;
	p2 =	por !p2, p0  }
0x20: {  	[sflag:s8] =	ssyncset.s32 @!p0 $0xFFFFF086;
	s6 =	sadd.s32 @!p0 s3, s7;
	s7 =	simm.s32 @!p0 $0x108  }
0x21: {  	s3 =	sadd.s32 s3, s9;
	s6 =	sadd.s32 @!p0 $0x88, s6;
	s7 =	simm.s32 @p2 $0x1082  }
0x22: {  	[simem:s7], [sflag:s8] =	dma.local @!p0 [hbm:s6], $0xF7A  }
0x23: {  	s9 =	sor.u32 $0xD0000000, s2;
	s6 =	simm.s32 $0x108;
	_ =	swait.ge @!p0 [sflag:s8], $0x0  }
0x24: {  	s3 =	sadd.s32 $0x88, s3;
	s6 =	simm.s32 @!p1 $0x1082;
	[sflag:s4] =	ssyncset.s32 $0xFFFFF086  }
0x25: {  	[simem:s6], [sflag:s4] =	dma.local [hbm:s3], $0xF7A  }
0x26: {  	[smem:$0x3F99] =	sst s1;
	(tag) =	ssettag s2;
	_ =	strace s9  }
0x27: {  	s1 =	sld [smem:$0x3FA9]  }
0x28: {  	s2 =	sld [smem:$0x3FAA]  }
0x29: {  	s4 =	sld [smem:$0x3FAC]  }
0x2a: {  	p0 =	seq.s32 s5, $0x0;
	s5 =	sld [smem:$0x3FAD]  }
0x2b: {  	s6 =	sld [smem:$0x3FAE]  }
0x2c: {  	s7 =	sld [smem:$0x3FAF]  }
0x2d: {  	s3 =	simm.s32 $0x108;
	s8 =	sld [smem:$0x3FB0]  }
0x2e: {  	s3 =	simm.s32 @!p0 $0x1082;
	s9 =	sld [smem:$0x3FB1]  }
0x2f: {  	lr =	sadd.s32 s0, s3;
	s0 =	sld [smem:$0x3FA8]  }
0x30: {  	s3 =	sld [smem:$0x3FAB]  }
0x31: {  	[smem:$0x3FB4] =	sst s10  }
0x32: {  	s10 =	sld [smem:$0x3FB2];
	_ =	sdelay $0x3  }
0x33: {  	p0 =	seq.s32 s10, $0x1;
	s10 =	sld [smem:$0x3FB4];
	_ =	sdelay $0x3  }
0x34: {  	[smem:$0x3FB4] =	sst s10  }
0x35: {  	s10 =	sld [smem:$0x3FB3];
	_ =	sdelay $0x3  }
0x36: {  	p1 =	seq.s32 s10, $0x1;
	s10 =	sld [smem:$0x3FB4];
	_ =	sdelay $0x3  }
0x37: {  	[smem:$0x3FB4] =	sst s10  }
0x38: {  	s10 =	sld [smem:$0x3FB5]  }
0x39: {  	_ = 	snop;
	(pc) =	sbr.ind lr, $3  }
0x3a: {  	_ = 	snop  }
0x3b: {  	_ = 	snop  }
0x3c: {  	p2 =	seq.s32 s10, $0x1;
	s10 =	sld [smem:$0x3FB4]  }
0x3d: {  	_ =	shalt  }
0x3e: {  	_ =	shalt  }
0x3f: {  	_ =	shalt  }
0x40: {  	_ =	shalt  }
0x41: {  	_ =	shalt  }
0x42: {  	_ =	shalt  }
0x43: {  	_ =	shalt  }
0x44: {  	_ =	shalt  }
0x45: {  	_ =	shalt  }
0x46: {  	_ =	shalt  }
0x47: {  	_ =	shalt  }
0x48: {  	_ =	shalt  }
0x49: {  	_ =	shalt  }
0x4a: {  	_ =	shalt  }
0x4b: {  	_ =	shalt  }
0x4c: {  	_ =	shalt  }
0x4d: {  	_ =	shalt  }
0x4e: {  	_ =	shalt  }
0x4f: {  	_ =	shalt  }
0x50: {  	_ =	shalt  }
0x51: {  	_ =	shalt  }
0x52: {  	_ =	shalt  }
0x53: {  	_ =	shalt  }
0x54: {  	_ =	shalt  }
0x55: {  	_ =	shalt  }
0x56: {  	_ =	shalt  }
0x57: {  	_ =	shalt  }
0x58: {  	_ =	shalt  }
0x59: {  	_ =	shalt  }
0x5a: {  	_ =	shalt  }
0x5b: {  	_ =	shalt  }
0x5c: {  	_ =	shalt  }
0x5d: {  	_ =	shalt  }
0x5e: {  	_ =	shalt  }
0x5f: {  	_ =	shalt  }
0x60: {  	_ =	shalt  }
0x61: {  	_ =	shalt  }
0x62: {  	_ =	shalt  }
0x63: {  	_ =	shalt  }
0x64: {  	_ =	shalt  }
0x65: {  	_ =	shalt  }
0x66: {  	_ =	shalt  }
0x67: {  	_ =	shalt  }
0x68: {  	_ =	shalt  }
0x69: {  	_ =	shalt  }
0x6a: {  	_ =	shalt  }
0x6b: {  	_ =	shalt  }
0x6c: {  	_ =	shalt  }
0x6d: {  	_ =	shalt  }
0x6e: {  	_ =	shalt  }
0x6f: {  	_ =	shalt  }
0x70: {  	_ =	shalt  }
0x71: {  	_ =	shalt  }
0x72: {  	_ =	shalt  }
0x73: {  	_ =	shalt  }
0x74: {  	_ =	shalt  }
0x75: {  	_ =	shalt  }
0x76: {  	_ =	shalt  }
0x77: {  	_ =	shalt  }
0x78: {  	_ =	shalt  }
0x79: {  	_ =	shalt  }
0x7a: {  	_ =	shalt  }
0x7b: {  	_ =	shalt  }
0x7c: {  	_ =	shalt  }
0x7d: {  	_ =	shalt  }
0x7e: {  	_ =	shalt  }
0x7f: {  	_ =	shalt  }
0x80: {  	_ =	shalt  }
0x81: {  	_ =	shalt  }
0x82: {  	_ =	shalt  }
0x83: {  	_ =	shalt  }
0x84: {  	_ =	shalt  }
0x85: {  	_ =	shalt  }
0x86: {  	_ =	shalt  }
0x87: {  	_ =	shalt  }
.Lfunc_end0:
.L_simem_size_0:
called_computation_lowered:
.L_overlay_start_0:
0x88: {  	s2 =	sld [smem:$0x3FD9]  }
0x89: {  	s3 =	sld [smem:$0x3FFE];
	_ =	sdelay $0x1  }
0x8a: {  	s1 =	srdreg.scid  }
0x8b: {  	s0 =	sand.u32 $0x1, s1  }
0x8c: {  	s17 =	sshll.u32 s0, $0xA;
	s2 =	sadd.s32 s3, s2  }
0x8d: {  	s2 =	sadd.s32 s2, s17  }
0x8e: {  	[smem:$0x3FC0] =	sst s2  }
0x8f: {  	_ = 	snop  }
0x90: {  	s2 =	sld [smem:$0x3FC6]  }
0x91: {  	s18 =	sld [smem:$0x3FC5]  }
0x92: {  	s4 =	sld [smem:$0x3FC3]  }
0x93: {  	s5 =	sld [smem:$0x3FC2];
	(tm) =	ssettm $0x1  }
0x94: {  	s6 =	sld [smem:$0x3FFB];
	_ =	sdelay $0x3  }
0x95: {  	_ =	strace s6  }
0x96: {  	s6 =	sld [smem:$0x3FFC];
	_ =	sdelay $0x3  }
0x97: {  	_ =	strace s6  }
0x98: {  	s6 =	sld [smem:$0x3FFD];
	_ =	sdelay $0x3  }
0x99: {  	_ =	strace s6  }
0x9a: {  	_ =	strace $0x8FFFFFFF  }
0x9b: {  	s19 =	sld [smem:$0x3FDB];
	_ =	sdelay $0x1  }
0x9c: {  	s7 =	simm.s32 $_scs_section_size  }
0x9d: {  	s8 =	simm.s32 $_size__tile_overlayer_lowered;
	s9 =	simm.s32 $_tile_overlayer_lowered  }
0x9e: {  	s22 =	simm.s32 $0x1BFF;
	s21 =	sshll.u32 s9, $0x1;
	s6 =	sadd.s32 s7, s19  }
0x9f: {  	s10 =	simm.s32 $0x0;
	s20 =	sshll.u32 s8, $0x1;
	s8 =	sadd.s32 s21, s6  }
0xa0: {  	[timem:s10], [sflag:s22] =	dma.local [hbm:s8], s20  }
0xa1: {  	_ =	swait.ge [sflag:s22], s20  }
0xa2: {  	s7 =	ssub.s32 $0x0, s20;
	[sflag:s22] =	ssyncset.done $0x0  }
0xa3: {  	[sflag:s22] =	ssyncadd.s32 s7;
	_ =	sdelay $0x1  }
0xa4: {  	s23 =	simm.s32 $0x1B8B  }
0xa5: {  	_ =	swait.ge [sflag:s23], $0x1  }
0xa6: {  	[sflag:s23] =	ssyncset.done $0x0  }
0xa7: {  	s25 =	simm.s32 $0x1B8E;
	s24 =	sld [smem:$0x3FFE];
	[sflag:s23] =	ssyncadd.s32 $0xFFFFFFFF  }
0xa8: {  	s26 =	simm.s32 $execute0_lowered;
	[smem:$0x3FD2] =	sst s25  }
0xa9: {  	s8 =	sshll.u32 s26, $0x1;
	_ =	strace $0x80000046;
	[dreg:$0x1] =	wrdreg $0xFFFFFFFF  }
0xaa: {  	s28 =	simm.s32 $_size_execute0_lowered;
	s6 =	sadd.s32 s6, s8;
	[dreg:$0x0] =	wrdreg $0x0  }
0xab: {  	s8 =	sshll.u32 s28, $0x1;
	[dreg:$0x2] =	wrdreg s6  }
0xac: {  	[dreg:$0x3] =	wrdreg s8  }
0xad: {  	[dreg:$0x4] =	wrdreg $0xC0  }
0xae: {  	_ =	task [dreg:s10], $0x5FFFF  }
0xaf: {  	[dreg:$0x1] =	wrdreg $0xFFFFFFFF  }
0xb0: {  	[dreg:$0x0] =	wrdreg $0x60  }
0xb1: {  	[dreg:$0x2] =	wrdreg s2  }
0xb2: {  	[dreg:$0x3] =	wrdreg s18  }
0xb3: {  	[dreg:$0x4] =	wrdreg s4  }
0xb4: {  	[dreg:$0x5] =	wrdreg s5  }
0xb5: {  	[dreg:$0x6] =	wrdreg s24  }
0xb6: {  	[dreg:$0x7] =	wrdreg $0x9  }
0xb7: {  	_ =	task.clear_ibuf [dreg:s10], $0x8FFFF;
	_ =	strace $0x90000046  }
0xb8: {  	s29 =	simm.s32 $0x9;
	_ =	strace $0x80000048  }
0xb9: {  	_ =	swait.ge [sflag:s29], $0x1  }
0xba: {  	[sflag:s29] =	ssyncadd.s32 $0xFFFFFFFF  }
0xbb: {  	_ =	strace $0x90000048  }
0xbc: {  	_ =	sfence  }
0xbd: {  	s30 =	sld [smem:$0x0];
	_ =	sdelay $0x2  }
0xbe: {  	s31 =	sshll.u32 s1, $0xD;
	s1 =	sshrl.u32 s1, $0x2  }
0xbf: {  	s3 =	sand.u32 $0x4000, s31;
	s1 =	sadd.s32 s1, s30  }
0xc0: {  	s0 =	sor.u32 s3, s0;
	s1 =	sshll.u32 s1, $0x11  }
0xc1: {  	s0 =	sor.u32 s1, s0  }
0xc2: {  	s0 =	sadd.s32 $0x8F2B, s0  }
0xc3: {  	[sflag:s0] =	ssyncadd.remote.s32 $0x1  }
0xc4: {  	_ =	sfence.sel $0xFFFF  }
0xc5: {  	[dreg:$0x0] =	wrdreg $0xFFFFFFFF;
	(pc) =	sbr.abs _section_cstart, $3  }
0xc6: {  	[dreg:$0x1] =	wrdreg $0xFFFFFFFF  }
0xc7: {  	_ =	task.clear_ibuf [dreg:s10], $0x2FFFF;
	_ =	strace $0x9FFFFFFF  }
0xc8: {  	(tm) =	ssettm $0x7FFFFFFF  }
0xc9: {  	_ =	shalt  }
tec
execute0_lowered:
.L_overlay_start_1:
0x0: {  	(tag) =	ssettag $0x1  }
0x1: {  	s1 =	rddreg [dreg:$0x0]  }
0x2: {  	s2 =	rddreg [dreg:$0x1]  }
0x3: {  	s3 =	rddreg [dreg:$0x2]  }
0x4: {  	s4 =	rddreg [dreg:$0x3]  }
0x5: {  	s8 =	rddreg [dreg:$0x4]  }
0x6: {  	s0 =	rddreg [dreg:$0x5];
	s6 =	simm.s32 $0x0;
	s7 =	srdreg.scid  }
0x7: {  	s5 =	stileid.u32;
	s13 =	simm.s32 $0x0;
	[smem:$0x7FF] =	sst s6  }
0x8: {  	s9 =	sand.u32 $0x1, s7;
	s11 =	sshll.u32 s5, $0x1;
	s7 =	sadd.s32 $0x1400, s8  }
0x9: {  	s8 =	sadd.s32 $0x201400, s8;
	s10 =	ssub.s32 $0x2, s9;
	s11 =	sand.u32 $0x2, s11  }
0xa: {  	v0 =	vlaneseq.u32;
	_ =	strace $0x80000047;
	s12 =	sshrl.u32 s10, $0x1;
	s9 =	sor.u32 s9, s11  }
0xb: {  	v1 =	vand.u32 $0x1, v0;
	s10 =	ssub.s32 s10, s12;
	s11 =	sshll.u32 s9, $0x1;
	s9 =	sshll.u32 s9, $0xF  }
0xc: {  	s12 =	simm.s32 $0x3;
	s10 =	smax.u32 s10, $0x1;
	v1 =	vor.u32 s11, v1;
	s11 =	sshrl.u32 s5, $0x1  }
.LBB2_1:
0xd: {  	[tilespmem:s6], [sflag:$0x3] =	stream.linear.gather [hbm4b:s4+s6], $0x80, $0x38;
	[tilespmem:$0x8180] =	vst v63  }
0xe: {  	_ =	swait.ge [sflag:s12], $0x80  }
0xf: {  	[sflag:s12] =	ssyncset.done $0x0  }
0x10: {  	[sflag:s12] =	ssyncadd.s32 $0xFFFFFF80  }
0x11: {  	v2 =	vld [tilespmem:$0x0];
	_ =	sdelay $0x2  }
0x12: {  	s17 =	sand.u32 $0xF, s11  }
0x13: {  	v3 =	vmov s17  }
0x14: {  	vm0 =	veq.s32 v3, v0;
	v2 =	vxor.u32 $0x80000000, v2  }
0x15: {  	v3 =	vnsel vm0, $0x80000000, v2  }
0x16: {  	(xrf0) =	vmax.scan.msk.u32 $0xffff, v3;
	_ =	sdelay $0x5  }
0x17: {  	v3, _, _ =	vpop (xrf0)  }
0x18: {  	(v2sf) =	vpush v3, $0xF;
	_ =	sdelay $0xe  }
0x19: {  	s14 =	spop (v2sf)  }
0x1a: {  	s14 =	sxor.u32 $0x80000000, s14  }
0x1b: {  	p1 =	sle.s32 s14, $0x0  }
0x1c: {  	s14 =	sand.u32 @!p1 $0xE, s6;
	s15 =	sshll.u32 @!p1 s17, $0x4  }
0x1d: {  	v3 =	vlaneseq.u32 @!p1;
	s16 =	simm.s32 @!p1 $0x0;
	s18 =	simm.s32 @!p1 $0x80;
	s14 =	sadd.s32 @!p1 s3, s14  }
0x1e: {  	s19 =	simm.s32 @!p1 $0x3;
	v3 =	vshrl.u32 @!p1 v3, $0x1;
	s14 =	sadd.s32 @!p1 s15, s14;
	s15 =	sadd.s32 $0x8, s11  }
0x1f: {  	[tilespmem:s18], [sflag:$0x3] =	stream.linear.gather @!p1 [hbm4b:s14+s16], $0x10, $0x38;
	[tilespmem:$0x8180] =	vst v63  }
0x20: {  	p0 =	por p1, p1;
	s14 =	sand.u32 $0xF, s15;
	_ =	swait.ge @!p1 [sflag:s19], $0x10  }
0x21: {  	v4 =	vmov s14;
	[sflag:s19] =	ssyncset.done @!p0 $0x0  }
0x22: {  	vm15 =	veq.s32 v4, v0;
	[sflag:s19] =	ssyncadd.s32 @!p0 $0xFFFFFFF0  }
0x23: {  	v5 =	vnsel vm15, $0x80000000, v2;
	v4 =	vld.idx.msk @!p0 [tilespmem:v3+s18+$0x0], $0xffff  }
0x24: {  	(xrf0) =	vmax.scan.msk.u32 $0xffff, v5;
	_ =	sdelay $0x1  }
0x25: {  	v3 =	vor.u32 @!p1 $0x8, v3;
	_ =	sdelay $0x1  }
0x26: {  	v4 =	vshll.u32 @!p0 v4, $0x3  }
0x27: {  	v4 =	vor.u32 @!p0 v1, v4  }
0x28: {  	v63, _, _ =	vpop (xrf0);
	[tilespmem:$0x100] =	vst @!p0 v4  }
0x29: {  	(v2sf) =	vpush v63, $0xF;
	v3 =	vld.idx.msk @!p0 [tilespmem:v3+s18+$0x0], $0xffff;
	_ =	sdelay $0x4  }
0x2a: {  	v3 =	vshll.u32 @!p0 v3, $0x3  }
0x2b: {  	s20 =	simm.s32 @!p0 $0x1;
	s17 =	sshll.u32 @!p0 s17, $0x11;
	v3 =	vor.u32 @!p0 v1, v3  }
0x2c: {  	s23 =	simm.s32 @!p0 $0x20;
	s24 =	simm.s32 @!p0 $0x100;
	s21 =	simm.s32 @!p0 $0x180;
	[tilespmem:$0x110] =	vst @!p0 v3  }
0x2d: {  	[tilespmem:s21], [sflag:$0x1] =	stream.indirect.gather @!p0 [hbm4b:s1+s23], $0x400, s24, s23, $0xb8;
	[tilespmem:$0x8180] =	vst v63  }
0x2e: {  	s17 =	sor.u32 @!p0 s9, s17;
	_ =	swait.ge @!p0 [sflag:s20], $0x8000  }
0x2f: {  	s17 =	sadd.s32 @!p0 $0x0, s17;
	[sflag:s20] =	ssyncset.done @!p0 $0x0  }
0x30: {  	s22 =	simm.s32 @!p0 $0x2;
	s18 =	sadd.s32 @!p0 s7, s17;
	[sflag:s20] =	ssyncadd.s32 @!p0 $0xFFFF8000  }
0x31: {  	[hbm4b:s18+s16] =	stream.linear.scatter @!p0 [tilespmem:s21], [sflag:$0x2], $0x8000, $0x38;
	[tilespmem:$0x8180] =	vst v63  }
0x32: {  	_ =	swait.ge @!p0 [sflag:s22], $0x8000  }
0x33: {  	s19 =	simm.s32 $0x1;
	[sflag:s22] =	ssyncset.done @!p0 $0x0  }
0x34: {  	s18 =	simm.s32 $0x2;
	s25 =	spop (v2sf);
	[sflag:s22] =	ssyncadd.s32 @!p0 $0xFFFF8000  }
0x35: {  	[tilespmem:s21], [sflag:$0x1] =	stream.indirect.gather @!p0 [hbm4b:s2+s23], $0x400, s24, s23, $0xb8;
	[tilespmem:$0x8180] =	vst v63  }
0x36: {  	s31 =	sxor.u32 $0x80000000, s25;
	s23 =	sadd.s32 @!p0 s8, s17;
	_ =	swait.ge @!p0 [sflag:s20], $0x8000  }
0x37: {  	s17 =	simm.s32 $0x0;
	p2 =	sle.s32 s31, $0x0;
	[sflag:s20] =	ssyncset.done @!p0 $0x0  }
.LBB2_2:
0x38: {  	[sflag:s20] =	ssyncadd.s32 @!p0 $0xFFFF8000;
	s20 =	smov.u32 s18;
	s18 =	sadd.s32 $0x1, s18  }
0x39: {  	[hbm4b:s23+s16] =	stream.linear.scatter @!p0 [tilespmem:s21], [sflag:$0x2], $0x8000, $0x38;
	[tilespmem:$0x8180] =	vst v63  }
0x3a: {  	p1 =	sne.s32 s18, $0x10;
	_ =	swait.ge @!p0 [sflag:s22], $0x8000  }
0x3b: {  	s16 =	sand.u32 @!p2 $0xE, s19;
	s21 =	simm.s32 @!p2 $0x3;
	[sflag:s22] =	ssyncset.done @!p0 $0x0  }
0x3c: {  	v3 =	vlaneseq.u32 @!p2;
	s19 =	sshll.u32 @!p2 s14, $0x4;
	s16 =	sadd.s32 @!p2 s3, s16;
	[sflag:s22] =	ssyncadd.s32 @!p0 $0xFFFF8000  }
0x3d: {  	v3 =	vshrl.u32 @!p2 v3, $0x1;
	s19 =	sadd.s32 @!p2 s19, s16;
	s16 =	simm.s32 @!p2 $0x0;
	s22 =	simm.s32 @!p2 $0x80  }
0x3e: {  	v4 =	vor.u32 @!p2 $0x8, v3;
	[tilespmem:s22], [sflag:$0x3] =	stream.linear.gather @!p2 [hbm4b:s19+s16], $0x10, $0x38;
	[tilespmem:$0x8180] =	vst v63  }
0x3f: {  	p0 =	por p2, p2;
	s19 =	smov.u32 s20;
	_ =	swait.ge @!p2 [sflag:s21], $0x10  }
0x40: {  	s15 =	sadd.s32 $0x8, s15;
	[sflag:s21] =	ssyncset.done @!p0 $0x0  }
0x41: {  	s23 =	sand.u32 $0xF, s15;
	[sflag:s21] =	ssyncadd.s32 @!p0 $0xFFFFFFF0  }
0x42: {  	v5 =	vmov s23;
	v3 =	vld.idx.msk @!p0 [tilespmem:v3+s22+$0x0], $0xffff  }
0x43: {  	vm0 =	veq.s32 v5, v0  }
0x44: {  	v5 =	vnsel vm0, $0x80000000, v2  }
0x45: {  	(xrf0) =	vmax.scan.msk.u32 $0xffff, v5;
	_ =	sdelay $0x2  }
0x46: {  	v3 =	vshll.u32 @!p0 v3, $0x3  }
0x47: {  	v5 =	vor.u32 @!p0 v1, v3  }
0x48: {  	[tilespmem:$0x100] =	vst @!p0 v5  }
0x49: {  	v3, _, _ =	vpop (xrf0);
	v4 =	vld.idx.msk @!p0 [tilespmem:v4+s22+$0x0], $0xffff  }
0x4a: {  	(v2sf) =	vpush v3, $0xF;
	_ =	sdelay $0x4  }
0x4b: {  	v3 =	vshll.u32 @!p0 v4, $0x3  }
0x4c: {  	s20 =	simm.s32 @!p0 $0x1;
	s22 =	sshll.u32 @!p0 s14, $0x11;
	s14 =	smov.u32 s23;
	v3 =	vor.u32 @!p0 v1, v3  }
0x4d: {  	s24 =	simm.s32 @!p0 $0x20;
	s25 =	simm.s32 @!p0 $0x100;
	s21 =	simm.s32 @!p0 $0x180;
	[tilespmem:$0x110] =	vst @!p0 v3  }
0x4e: {  	[tilespmem:s21], [sflag:$0x1] =	stream.indirect.gather @!p0 [hbm4b:s1+s24], $0x400, s25, s24, $0xb8;
	[tilespmem:$0x8180] =	vst v63  }
0x4f: {  	s17 =	sshll.u32 @!p0 s17, $0xC;
	s22 =	sor.u32 @!p0 s9, s22;
	_ =	swait.ge @!p0 [sflag:s20], $0x8000  }
0x50: {  	s17 =	sadd.s32 @!p0 s17, s22;
	[sflag:s20] =	ssyncset.done @!p0 $0x0  }
0x51: {  	s22 =	simm.s32 @!p0 $0x2;
	s23 =	sadd.s32 @!p0 s7, s17;
	[sflag:s20] =	ssyncadd.s32 @!p0 $0xFFFF8000  }
0x52: {  	[hbm4b:s23+s16] =	stream.linear.scatter @!p0 [tilespmem:s21], [sflag:$0x2], $0x8000, $0x38;
	[tilespmem:$0x8180] =	vst v63  }
0x53: {  	s23 =	sadd.s32 @!p0 s8, s17;
	_ =	swait.ge @!p0 [sflag:s22], $0x8000  }
.Ltmp0:
0x54: {  	[sflag:s22] =	ssyncset.done @!p0 $0x0;
	(pc) =	sbr.rel @p1 .LBB2_2-.Ltmp0, $4  }
0x55: {  	s17 =	sshrl.u32 s19, $0x1;
	s26 =	spop (v2sf);
	[sflag:s22] =	ssyncadd.s32 @!p0 $0xFFFF8000  }
0x56: {  	[tilespmem:s21], [sflag:$0x1] =	stream.indirect.gather @!p0 [hbm4b:s2+s24], $0x400, s25, s24, $0xb8;
	[tilespmem:$0x8180] =	vst v63  }
0x57: {  	s24 =	sxor.u32 $0x80000000, s26;
	s25 =	sshll.u32 s17, $0x8;
	_ =	swait.ge @!p0 [sflag:s20], $0x8000  }
0x58: {  	p2 =	sge.s32 s25, s24;
	[sflag:s20] =	ssyncset.done @!p0 $0x0  }
0x59: {  	[sflag:s20] =	ssyncadd.s32 @!p0 $0xFFFF8000;
	s15 =	sand.u32 @!p2 $0xE, s19  }
0x5a: {  	[hbm4b:s23+s16] =	stream.linear.scatter @!p0 [tilespmem:s21], [sflag:$0x2], $0x8000, $0x38;
	[tilespmem:$0x8180] =	vst v63  }
0x5b: {  	s18 =	sshll.u32 @!p2 s14, $0x4;
	s19 =	simm.s32 @!p2 $0x80;
	_ =	swait.ge @!p0 [sflag:s22], $0x8000  }
0x5c: {  	v2 =	vlaneseq.u32 @!p2;
	s16 =	simm.s32 @!p2 $0x3;
	s15 =	sadd.s32 @!p2 s3, s15;
	[sflag:s22] =	ssyncset.done @!p0 $0x0  }
0x5d: {  	v2 =	vshrl.u32 @!p2 v2, $0x1;
	s15 =	sadd.s32 @!p2 s18, s15;
	s18 =	simm.s32 @!p2 $0x0;
	[sflag:s22] =	ssyncadd.s32 @!p0 $0xFFFF8000  }
0x5e: {  	[tilespmem:s19], [sflag:$0x3] =	stream.linear.gather @!p2 [hbm4b:s15+s18], $0x10, $0x38;
	[tilespmem:$0x8180] =	vst v63  }
0x5f: {  	p0 =	por p2, p2;
	_ =	swait.ge @!p2 [sflag:s16], $0x10  }
0x60: {  	[sflag:s16] =	ssyncset.done @!p0 $0x0  }
0x61: {  	[sflag:s16] =	ssyncadd.s32 @!p0 $0xFFFFFFF0  }
0x62: {  	v3 =	vld.idx.msk @!p0 [tilespmem:v2+s19+$0x0], $0xffff;
	_ =	sdelay $0x2  }
0x63: {  	v2 =	vor.u32 @!p2 $0x8, v2;
	_ =	sdelay $0x1  }
0x64: {  	v3 =	vshll.u32 @!p0 v3, $0x3  }
0x65: {  	v3 =	vor.u32 @!p0 v1, v3  }
0x66: {  	[tilespmem:$0x100] =	vst @!p0 v3  }
0x67: {  	v2 =	vld.idx.msk @!p0 [tilespmem:v2+s19+$0x0], $0xffff;
	_ =	sdelay $0x4  }
0x68: {  	v2 =	vshll.u32 @!p0 v2, $0x3  }
0x69: {  	s15 =	simm.s32 @!p0 $0x1;
	s14 =	sshll.u32 @!p0 s14, $0x11;
	v2 =	vor.u32 @!p0 v1, v2  }
0x6a: {  	s20 =	simm.s32 @!p0 $0x180;
	s16 =	simm.s32 @!p0 $0x20;
	s19 =	simm.s32 @!p0 $0x100;
	[tilespmem:$0x110] =	vst @!p0 v2  }
0x6b: {  	[tilespmem:s20], [sflag:$0x1] =	stream.indirect.gather @!p0 [hbm4b:s1+s16], $0x400, s19, s16, $0xb8;
	[tilespmem:$0x8180] =	vst v63  }
0x6c: {  	s17 =	sshll.u32 @!p0 s17, $0xC;
	s14 =	sor.u32 @!p0 s9, s14;
	_ =	swait.ge @!p0 [sflag:s15], $0x8000  }
0x6d: {  	s14 =	sadd.s32 @!p0 s17, s14;
	[sflag:s15] =	ssyncset.done @!p0 $0x0  }
0x6e: {  	s21 =	simm.s32 @!p0 $0x2;
	s17 =	sadd.s32 @!p0 s7, s14;
	[sflag:s15] =	ssyncadd.s32 @!p0 $0xFFFF8000  }
0x6f: {  	[hbm4b:s17+s18] =	stream.linear.scatter @!p0 [tilespmem:s20], [sflag:$0x2], $0x8000, $0x38;
	[tilespmem:$0x8180] =	vst v63  }
0x70: {  	_ =	swait.ge @!p0 [sflag:s21], $0x8000  }
0x71: {  	[sflag:s21] =	ssyncset.done @!p0 $0x0  }
0x72: {  	[sflag:s21] =	ssyncadd.s32 @!p0 $0xFFFF8000  }
0x73: {  	[tilespmem:s20], [sflag:$0x1] =	stream.indirect.gather @!p0 [hbm4b:s2+s16], $0x400, s19, s16, $0xb8;
	[tilespmem:$0x8180] =	vst v63  }
0x74: {  	s13 =	sadd.s32 $0x1, s13;
	_ =	swait.ge @!p0 [sflag:s15], $0x8000  }
0x75: {  	p1 =	sne.s32 s13, s10;
	[sflag:s15] =	ssyncset.done @!p0 $0x0  }
.Ltmp1:
0x76: {  	s14 =	sadd.s32 @!p0 s8, s14;
	[sflag:s15] =	ssyncadd.s32 @!p0 $0xFFFF8000;
	(pc) =	sbr.rel @p1 .LBB2_1-.Ltmp1, $4  }
0x77: {  	[hbm4b:s14+s18] =	stream.linear.scatter @!p0 [tilespmem:s20], [sflag:$0x2], $0x8000, $0x38;
	[tilespmem:$0x8180] =	vst v63  }
0x78: {  	_ =	swait.ge @!p0 [sflag:s21], $0x8000  }
0x79: {  	[sflag:s21] =	ssyncset.done @!p0 $0x0  }
0x7a: {  	[sflag:s21] =	ssyncadd.s32 @!p0 $0xFFFF8000  }
0x7b: {  	_ =	sfence.sel $0x180000  }
0x7c: {  	[bflag:$0x0] =	sbarrier.arrive $0xFFFF  }
0x7d: {  	p0 =	sne.s32 s5, $0x0;
	_ =	strace $0x90000047  }
0x7e: {  	s0 =	sadd.s32 @!p0 $0x100000, s0;
	[bflag:$0x2] =	sbarrier.arrive $0xFFFF  }
0x7f: {  	[sflag:s0] =	ssyncadd.tile.s32 @!p0 $0x1;
	_ =	shalt  }
.Lfunc_end2:
_tile_overlayer_lowered:
.L_overlay_start_2:
0x80: {  	(tag) =	ssettag $0x2  }
0x81: {  	s0 =	rddreg [dreg:$0x0];
	s2 =	stileid.u32  }
0x82: {  	s1 =	rddreg [dreg:$0x1];
	p0 =	sne.s32 s2, $0x0  }
0x83: {  	s3 =	rddreg [dreg:$0x2];
	[bflag:$0x3] =	sbarrier.arrive $0xFFFF;
	s2 =	simm.s32 @!p0 $0x1C03  }
0x84: {  	[timem:s3], [sflag:s2] =	dma.local @!p0 [hbm:s0], s1  }
0x85: {  	s0 =	simm.s32 @!p0 $0x3  }
0x86: {  	_ =	swait.ge @!p0 [sflag:s0], s1  }
0x87: {  	s1 =	ssub.s32 @!p0 $0x0, s1;
	[sflag:s0] =	ssyncset.done @!p0 $0x0  }
0x88: {  	[sflag:s0] =	ssyncadd.s32 @!p0 s1  }
0x89: {  	[bflag:$0x3] =	sbarrier.arrive $0xFFFF  }
0x8a: {  	_ =	shalt  }

</sc_bundles>
